<compile_context>
chip_gen: v7x
topology: tpu7x:2x2x1
jax: 0.10.2.dev20260603
libtpu: 0.0.44.dev20260713+nightly
codegen_flags: <defaults>
</compile_context>

<pallas_src>
import functools

import jax
import jax.numpy as jnp
from jax import lax
from jax.experimental import pallas as pl
from jax.experimental.pallas import tpu as pltpu
from jax.experimental.pallas import tpu_sc as plsc

N = 10000
E = 320000
D = 128
RB = 8
ZA = 4
HID = 64
AVG_INV = 1.0 / 32.0

VW = 128
NC = 2
NS = 16
NW = NC * NS
CHUNK = 128
CPT = 80
EPAD = CPT * CHUNK * NW
NPAD = 10240
NPS = NPAD // NS


_BE = 2048
_LASTB = (E - 1) // _BE
NHALF = 2
CPTH = CPT // NHALF
EPADH = EPAD // NHALF
_BH = EPADH // _BE


_C0 = (((0,), (0,)), ((), ()))


def _edge_body(off, dist_ref, diff_ref, wm1_ref, wm2_ref, wm3_ref, wm4_ref,
               v_ref):
    i = pl.program_id(0) + off
    bf = jnp.bfloat16
    x = lax.dot_general(wm1_ref[...], dist_ref[...], _C0,
                        preferred_element_type=jnp.float32)
    x = x * jax.nn.sigmoid(x)
    x = lax.dot_general(wm2_ref[...].astype(bf), x.astype(bf), _C0,
                        preferred_element_type=jnp.float32)
    x = x * jax.nn.sigmoid(x)
    x = lax.dot_general(wm3_ref[...].astype(bf), x.astype(bf), _C0,
                        preferred_element_type=jnp.float32)
    x = x * jax.nn.sigmoid(x)
    x = x * diff_ref[...]
    v = lax.dot_general(x.astype(bf), wm4_ref[...].astype(bf), _C0,
                        preferred_element_type=jnp.float32)
    rows = i * _BE + jax.lax.broadcasted_iota(jnp.int32, (_BE, 1), 0)
    v_ref[...] = jnp.where(rows < E, v, 0.0)


def _edge_stage(half, dist_t, diff_t, Wm1, Wm2, Wm3, Wm4):
    off = half * _BH
    clamp = lambda i: (0, jnp.minimum(i + off, _LASTB))
    return pl.pallas_call(
        functools.partial(_edge_body, off),
        grid=(_BH,),
        in_specs=[
            pl.BlockSpec((RB, _BE), clamp),
            pl.BlockSpec((1, _BE), clamp),
            pl.BlockSpec((RB, HID), lambda i: (0, 0)),
            pl.BlockSpec((HID, HID), lambda i: (0, 0)),
            pl.BlockSpec((HID, HID), lambda i: (0, 0)),
            pl.BlockSpec((HID, VW), lambda i: (0, 0)),
        ],
        out_specs=pl.BlockSpec((_BE, VW), lambda i: (i, 0)),
        out_shape=jax.ShapeDtypeStruct((EPADH, VW), jnp.float32),
    )(dist_t, diff_t, Wm1, Wm2, Wm3, Wm4)


def _sc_body(v_hbm, idx_hbm, zeros_hbm, out_hbm, shared,
             idx0, idx1, vb0, vb1, si0, si1, sv0, sv1):
    cid = lax.axis_index("c")
    sid = lax.axis_index("s")
    wid = sid * NC + cid
    base = wid * CPTH
    idxb = (idx0, idx1)
    vb = (vb0, vb1)
    sem_i = (si0, si1)
    sem_v = (sv0, sv1)

    def start(row, b):
        pltpu.async_copy(idx_hbm.at[row], idxb[b], sem_i[b])
        pltpu.async_copy(v_hbm.at[pl.ds(row * CHUNK, CHUNK)], vb[b], sem_v[b])

    def drain(row, b):
        pltpu.make_async_copy(idx_hbm.at[row], idxb[b], sem_i[b]).wait()
        pltpu.make_async_copy(v_hbm.at[pl.ds(row * CHUNK, CHUNK)], vb[b],
                              sem_v[b]).wait()

    start(base, 0)
    pltpu.sync_copy(zeros_hbm, shared.at[pl.ds(sid * NPS, NPS)])
    plsc.subcore_barrier()

    def step(k, carry):
        start(base + 2 * k + 1, 1)
        drain(base + 2 * k, 0)
        pltpu.sync_copy(vb0, shared.at[idx0], add=True)

        @pl.when(k < CPTH // 2 - 1)
        def _():
            start(base + 2 * k + 2, 0)
        drain(base + 2 * k + 1, 1)
        pltpu.sync_copy(vb1, shared.at[idx1], add=True)
        return carry

    lax.fori_loop(0, CPTH // 2, step, 0)
    plsc.subcore_barrier()
    out_base = cid * NPAD + sid * NPS
    pltpu.sync_copy(shared.at[pl.ds(sid * NPS, NPS)],
                    out_hbm.at[pl.ds(out_base, NPS)])


@functools.cache
def _get_sc_scatter():
    return pl.kernel(
        _sc_body,
        out_type=jax.ShapeDtypeStruct((NC * NPAD, VW), jnp.float32),
        mesh=plsc.VectorSubcoreMesh(core_axis_name="c", subcore_axis_name="s",
                                    num_cores=NC, num_subcores=NS),
        scratch_types=[
            pltpu.VMEM_SHARED((NPAD, VW), jnp.float32),
            pltpu.VMEM((CHUNK,), jnp.int32),
            pltpu.VMEM((CHUNK,), jnp.int32),
            pltpu.VMEM((CHUNK, VW), jnp.float32),
            pltpu.VMEM((CHUNK, VW), jnp.float32),
            pltpu.SemaphoreType.DMA,
            pltpu.SemaphoreType.DMA,
            pltpu.SemaphoreType.DMA,
            pltpu.SemaphoreType.DMA,
        ],
    )


def _node_body(nf_ref, p0_ref, p1_ref, p2_ref, p3_ref, attr_ref, w1_ref,
               w2_ref, wsk_ref, out_ref):
    h = jnp.dot(nf_ref[...], w1_ref[...], preferred_element_type=jnp.float32)
    s = (p0_ref[...] + p1_ref[...]) + (p2_ref[...] + p3_ref[...])
    o = jnp.dot(h * s, w2_ref[...], preferred_element_type=jnp.float32)
    o = o * AVG_INV
    attr = attr_ref[...]
    acc = attr[:, 0:1] * jnp.dot(o, wsk_ref[0:D, :],
                                 preferred_element_type=jnp.float32)
    for j in range(1, ZA):
        acc = acc + attr[:, j:j + 1] * jnp.dot(
            o, wsk_ref[j * D:(j + 1) * D, :],
            preferred_element_type=jnp.float32)
    out_ref[...] = acc


def _node_stage(node_feat, parts, node_attr, W1, W2, wsk2):
    BN = 1000
    return pl.pallas_call(
        _node_body,
        grid=(N // BN,),
        in_specs=[
            pl.BlockSpec((BN, D), lambda i: (i, 0)),
            pl.BlockSpec((BN, VW), lambda i: (i, 0)),
            pl.BlockSpec((BN, VW), lambda i: (i, 0)),
            pl.BlockSpec((BN, VW), lambda i: (i, 0)),
            pl.BlockSpec((BN, VW), lambda i: (i, 0)),
            pl.BlockSpec((BN, ZA), lambda i: (i, 0)),
            pl.BlockSpec((D, D), lambda i: (0, 0)),
            pl.BlockSpec((D, D), lambda i: (0, 0)),
            pl.BlockSpec((ZA * D, D), lambda i: (0, 0)),
        ],
        out_specs=pl.BlockSpec((BN, D), lambda i: (i, 0)),
        out_shape=jax.ShapeDtypeStruct((N, D), jnp.float32),
    )(node_feat, parts[0], parts[1], parts[2], parts[3],
      node_attr, W1, W2, wsk2)


def kernel(node_feat, edge_idx, edge_diff_embedding, edge_dist_embedding,
           node_attr, W1, Wm1, Wm2, Wm3, Wm4, W2, Wskip):
    pad = EPAD - E
    src_pad = jnp.pad(edge_idx[:, 0], (0, pad)).reshape(NW * CPT, CHUNK)
    src_halves = src_pad.reshape(NHALF, NW * CPTH, CHUNK)

    zeros = jnp.zeros((NPS, VW), jnp.float32)
    dist_t = edge_dist_embedding.T
    diff_t = edge_diff_embedding.T

    parts = []
    for h in range(NHALF):
        v_h = _edge_stage(h, dist_t, diff_t, Wm1, Wm2, Wm3, Wm4)
        ph = _get_sc_scatter()(v_h, src_halves[h], zeros)
        parts.append(ph[:N])
        parts.append(ph[NPAD:NPAD + N])

    wsk2 = jnp.transpose(Wskip, (1, 0, 2)).reshape(ZA * D, D)
    out = _node_stage(node_feat, parts, node_attr, W1, W2, wsk2)
    return out.reshape(N, D, 1)

# --- scband reference (transcript-rebuilt; emitter-appended) ---
"""Pipeline reference for scband-real-agnostic-interaction-block-25735444038119 (READ-ONLY COPY).

The authoritative reference and input builder live on the scoring server;
editing this copy changes nothing except your own understanding.
"""

import jax, jax.numpy as jnp
import numpy as np

N = 10000
E = 320000
D = 128
SH = 1
RB = 8
ZA = 4
HID = 64
AVG_NUM_NEIGHBORS = 32.0


def setup_inputs(seed: int = 0) -> dict:
    key = jax.random.key(seed)
    ks = jax.random.split(key, 12)
    node_feat = jax.random.normal(ks[0], (N, D), dtype=jnp.float32)
    edge_idx = jax.random.randint(ks[1], (E, 2), 0, N, dtype=jnp.int32)
    edge_diff_embedding = jax.random.normal(ks[2], (E, SH), dtype=jnp.float32)
    edge_dist_embedding = jax.random.uniform(ks[3], (E, RB), dtype=jnp.float32)
    node_attr = jax.random.uniform(ks[4], (N, ZA), dtype=jnp.float32)
    # learned parameters
    W1 = jax.random.normal(ks[5], (D, D), dtype=jnp.float32) / np.sqrt(D)
    Wm1 = jax.random.normal(ks[6], (RB, HID), dtype=jnp.float32) / np.sqrt(RB)
    Wm2 = jax.random.normal(ks[7], (HID, HID), dtype=jnp.float32) / np.sqrt(HID)
    Wm3 = jax.random.normal(ks[8], (HID, HID), dtype=jnp.float32) / np.sqrt(HID)
    Wm4 = jax.random.normal(ks[9], (HID, D), dtype=jnp.float32) / np.sqrt(HID)
    W2 = jax.random.normal(ks[10], (D, D), dtype=jnp.float32) / np.sqrt(D)
    Wskip = jax.random.normal(ks[11], (D, ZA, D), dtype=jnp.float32) / np.sqrt(D * ZA)
    return {
        'node_feat': node_feat,
        'edge_idx': edge_idx,
        'edge_diff_embedding': edge_diff_embedding,
        'edge_dist_embedding': edge_dist_embedding,
        'node_attr': node_attr,
        'W1': W1, 'Wm1': Wm1, 'Wm2': Wm2, 'Wm3': Wm3, 'Wm4': Wm4,
        'W2': W2, 'Wskip': Wskip,
    }


def reference(node_feat, edge_idx, edge_diff_embedding, edge_dist_embedding, node_attr,
              W1, Wm1, Wm2, Wm3, Wm4, W2, Wskip):
    # linear_1 (o3.Linear on 128x0e -> plain dense, no bias)
    h = node_feat @ W1
    # conv_tp_weights: FullyConnectedNet([RB, 64, 64, 64, weight_numel], silu)
    m = jax.nn.silu(edge_dist_embedding @ Wm1)
    m = jax.nn.silu(m @ Wm2)
    m = jax.nn.silu(m @ Wm3)
    tp_w = m @ Wm4  # [E, D] per-edge tensor-product weights
    src = edge_idx[:, 0]
    # conv_tp: uvu tensor product with scalar sh channel -> elementwise product
    edge_feat = h[src] * edge_diff_embedding * tp_w  # [E, D]
    # scatter_add over edge_idx[:, 0] (faithful to reference code)
    agg = jax.ops.segment_sum(edge_feat, src, num_segments=node_feat.shape[0])
    # linear_2
    out = agg @ W2
    out = out / AVG_NUM_NEIGHBORS
    # skip_tp: FullyConnectedTensorProduct(128x0e, 4x0e -> 128x0e)
    out = jnp.einsum('ni,nj,ijk->nk', out, node_attr, Wskip)
    # reshape_irreps: [N, D] -> [N, D, 1] for 128x0e
    return out.reshape(out.shape[0], D, 1)

if __name__ == "__main__":
    import jax
    _d = setup_inputs()
    print(jax.jit(kernel)(*tuple(_d.values())))

</pallas_src>

<mosaic_0001>
#map = affine_map<(d0, d1) -> (0, 0)>
module attributes {stable_mosaic.version = 14 : i64} {
  func.func @_sc_body(%arg0: i32, %arg1: i32, %arg2: memref<163840x128xf32, #tpu.memory_space<hbm>>, %arg3: memref<1280x128xi32, #tpu.memory_space<hbm>>, %arg4: memref<640x128xf32, #tpu.memory_space<hbm>>, %arg5: memref<20480x128xf32, #tpu.memory_space<hbm>>, %arg6: memref<10240x128xf32, #tpu.memory_space<vmem_shared>>, %arg7: memref<128xi32, #tpu.memory_space<vmem>>, %arg8: memref<128xi32, #tpu.memory_space<vmem>>, %arg9: memref<128x128xf32, #tpu.memory_space<vmem>>, %arg10: memref<128x128xf32, #tpu.memory_space<vmem>>, %arg11: memref<!tpu.dma_semaphore, #tpu.memory_space<semaphore_mem>>, %arg12: memref<!tpu.dma_semaphore, #tpu.memory_space<semaphore_mem>>, %arg13: memref<!tpu.dma_semaphore, #tpu.memory_space<semaphore_mem>>, %arg14: memref<!tpu.dma_semaphore, #tpu.memory_space<semaphore_mem>>) attributes {dimension_semantics = [#tpu.dimension_semantics<core_parallel>, #tpu.dimension_semantics<subcore_parallel>], iteration_bounds = array<i64: 2, 16>, scalar_prefetch = 0 : i64, scratch_operands = 9 : i64, tpu.core_type = #tpu.core_type<sc_vector_subcore>, window_params = [{transform_indices = #map}, {transform_indices = #map}, {transform_indices = #map}, {transform_indices = #map}]} {
    %mul3A = arith.constant 2 : i32
    %mul3A_0 = arith.muli %arg1, %mul3A : i32
    %add3A = arith.addi %mul3A_0, %arg0 : i32
    %mul3A_1 = arith.constant 40 : i32
    %mul3A_2 = arith.muli %add3A, %mul3A_1 : i32
    %dma_start3A = arith.constant 0 : i32
    %dma_start3A_3 = tpu.memref_slice %arg3[%mul3A_2, %dma_start3A] : memref<1280x128xi32, #tpu.memory_space<hbm>> -> memref<1x128xi32, #tpu.memory_space<hbm>>
    %dma_start3A_4 = tpu.memref_squeeze %dma_start3A_3 : memref<1x128xi32, #tpu.memory_space<hbm>> -> memref<128xi32, #tpu.memory_space<hbm>>
    %dma_start3A_5 = arith.constant 0 : i32
    %dma_start3A_6 = tpu.memref_slice %arg3[%mul3A_2, %dma_start3A_5] : memref<1280x128xi32, #tpu.memory_space<hbm>> -> memref<1x128xi32, #tpu.memory_space<hbm>>
    %dma_start3A_7 = tpu.memref_squeeze %dma_start3A_6 : memref<1x128xi32, #tpu.memory_space<hbm>> -> memref<128xi32, #tpu.memory_space<hbm>>
    tpu.enqueue_dma source(%dma_start3A_7 : memref<128xi32, #tpu.memory_space<hbm>>) target(%arg7 : memref<128xi32, #tpu.memory_space<vmem>>) target_semaphore(%arg11 : memref<!tpu.dma_semaphore, #tpu.memory_space<semaphore_mem>>)
    %mul3A_8 = arith.constant 128 : i32
    %mul3A_9 = arith.muli %mul3A_2, %mul3A_8 : i32
    %dma_start3A_10 = arith.constant 0 : i32
    %dma_start3A_11 = tpu.memref_slice %arg2[%mul3A_9, %dma_start3A_10] : memref<163840x128xf32, #tpu.memory_space<hbm>> -> memref<128x128xf32, #tpu.memory_space<hbm>>
    %dma_start3A_12 = arith.constant 0 : i32
    %dma_start3A_13 = tpu.memref_slice %arg2[%mul3A_9, %dma_start3A_12] : memref<163840x128xf32, #tpu.memory_space<hbm>> -> memref<128x128xf32, #tpu.memory_space<hbm>>
    tpu.enqueue_dma source(%dma_start3A_13 : memref<128x128xf32, #tpu.memory_space<hbm>>) target(%arg9 : memref<128x128xf32, #tpu.memory_space<vmem>>) target_semaphore(%arg13 : memref<!tpu.dma_semaphore, #tpu.memory_space<semaphore_mem>>)
    %mul3A_14 = arith.constant 640 : i32
    %mul3A_15 = arith.muli %arg1, %mul3A_14 : i32
    "tpu.region"() ({
      %run_scoped3A = tpu.sem_alloc : memref<!tpu.dma_semaphore, #tpu.memory_space<semaphore_mem>>
      %dma_start3A_29 = arith.constant 0 : i32
      %dma_start3A_30 = tpu.memref_slice %arg6[%mul3A_15, %dma_start3A_29] : memref<10240x128xf32, #tpu.memory_space<vmem_shared>> -> memref<640x128xf32, #tpu.memory_space<vmem_shared>>
      tpu.enqueue_dma source(%arg4 : memref<640x128xf32, #tpu.memory_space<hbm>>) target(%dma_start3A_30 : memref<640x128xf32, #tpu.memory_space<vmem_shared>>) target_semaphore(%run_scoped3A : memref<!tpu.dma_semaphore, #tpu.memory_space<semaphore_mem>>)
      %dma_wait3A = arith.constant 0 : i32
      %dma_wait3A_31 = tpu.memref_slice %arg6[%mul3A_15, %dma_wait3A] : memref<10240x128xf32, #tpu.memory_space<vmem_shared>> -> memref<640x128xf32, #tpu.memory_space<vmem_shared>>
      tpu.wait_dma2 semaphore(%run_scoped3A : memref<!tpu.dma_semaphore, #tpu.memory_space<semaphore_mem>>) src(%arg4 : memref<640x128xf32, #tpu.memory_space<hbm>>) dst(%dma_wait3A_31 : memref<640x128xf32, #tpu.memory_space<vmem_shared>>)
      tpu.yield
    }) : () -> ()
    %barrier3A = arith.constant 0 : index
    tpu.barrier barrier_id(%barrier3A)
    %scan3A = arith.constant 0 : i32
    %scan3A_16 = arith.constant 0 : i32
    %scan3A_17 = arith.constant 20 : i32
    %scan3A_18 = arith.addi %scan3A_16, %scan3A_17 : i32
    %scan3A_19 = arith.constant 1 : i32
    scf.for %scan3A_29 = %scan3A_16 to %scan3A_18 step %scan3A_19  : i32 {
      %mul3A_30 = arith.constant 2 : i32
      %mul3A_31 = arith.muli %mul3A_30, %scan3A_29 : i32
      %add3A_32 = arith.addi %mul3A_2, %mul3A_31 : i32
      %add3A_33 = arith.constant 1 : i32
      %add3A_34 = arith.addi %add3A_32, %add3A_33 : i32
      %dma_start3A_35 = arith.constant 0 : i32
      %dma_start3A_36 = tpu.memref_slice %arg3[%add3A_34, %dma_start3A_35] : memref<1280x128xi32, #tpu.memory_space<hbm>> -> memref<1x128xi32, #tpu.memory_space<hbm>>
      %dma_start3A_37 = tpu.memref_squeeze %dma_start3A_36 : memref<1x128xi32, #tpu.memory_space<hbm>> -> memref<128xi32, #tpu.memory_space<hbm>>
      %dma_start3A_38 = arith.constant 0 : i32
      %dma_start3A_39 = tpu.memref_slice %arg3[%add3A_34, %dma_start3A_38] : memref<1280x128xi32, #tpu.memory_space<hbm>> -> memref<1x128xi32, #tpu.memory_space<hbm>>
      %dma_start3A_40 = tpu.memref_squeeze %dma_start3A_39 : memref<1x128xi32, #tpu.memory_space<hbm>> -> memref<128xi32, #tpu.memory_space<hbm>>
      tpu.enqueue_dma source(%dma_start3A_40 : memref<128xi32, #tpu.memory_space<hbm>>) target(%arg8 : memref<128xi32, #tpu.memory_space<vmem>>) target_semaphore(%arg12 : memref<!tpu.dma_semaphore, #tpu.memory_space<semaphore_mem>>)
      %mul3A_41 = arith.constant 128 : i32
      %mul3A_42 = arith.muli %add3A_34, %mul3A_41 : i32
      %dma_start3A_43 = arith.constant 0 : i32
      %dma_start3A_44 = tpu.memref_slice %arg2[%mul3A_42, %dma_start3A_43] : memref<163840x128xf32, #tpu.memory_space<hbm>> -> memref<128x128xf32, #tpu.memory_space<hbm>>
      %dma_start3A_45 = arith.constant 0 : i32
      %dma_start3A_46 = tpu.memref_slice %arg2[%mul3A_42, %dma_start3A_45] : memref<163840x128xf32, #tpu.memory_space<hbm>> -> memref<128x128xf32, #tpu.memory_space<hbm>>
      tpu.enqueue_dma source(%dma_start3A_46 : memref<128x128xf32, #tpu.memory_space<hbm>>) target(%arg10 : memref<128x128xf32, #tpu.memory_space<vmem>>) target_semaphore(%arg14 : memref<!tpu.dma_semaphore, #tpu.memory_space<semaphore_mem>>)
      %mul3A_47 = arith.constant 2 : i32
      %mul3A_48 = arith.muli %mul3A_47, %scan3A_29 : i32
      %add3A_49 = arith.addi %mul3A_2, %mul3A_48 : i32
      %dma_wait3A = arith.constant 0 : i32
      %dma_wait3A_50 = tpu.memref_slice %arg3[%add3A_49, %dma_wait3A] : memref<1280x128xi32, #tpu.memory_space<hbm>> -> memref<1x128xi32, #tpu.memory_space<hbm>>
      %dma_wait3A_51 = tpu.memref_squeeze %dma_wait3A_50 : memref<1x128xi32, #tpu.memory_space<hbm>> -> memref<128xi32, #tpu.memory_space<hbm>>
      %dma_wait3A_52 = arith.constant 0 : i32
      %dma_wait3A_53 = tpu.memref_slice %arg3[%add3A_49, %dma_wait3A_52] : memref<1280x128xi32, #tpu.memory_space<hbm>> -> memref<1x128xi32, #tpu.memory_space<hbm>>
      %dma_wait3A_54 = tpu.memref_squeeze %dma_wait3A_53 : memref<1x128xi32, #tpu.memory_space<hbm>> -> memref<128xi32, #tpu.memory_space<hbm>>
      tpu.wait_dma2 semaphore(%arg11 : memref<!tpu.dma_semaphore, #tpu.memory_space<semaphore_mem>>) src(%dma_wait3A_54 : memref<128xi32, #tpu.memory_space<hbm>>) dst(%arg7 : memref<128xi32, #tpu.memory_space<vmem>>)
      %mul3A_55 = arith.constant 128 : i32
      %mul3A_56 = arith.muli %add3A_49, %mul3A_55 : i32
      %dma_wait3A_57 = arith.constant 0 : i32
      %dma_wait3A_58 = tpu.memref_slice %arg2[%mul3A_56, %dma_wait3A_57] : memref<163840x128xf32, #tpu.memory_space<hbm>> -> memref<128x128xf32, #tpu.memory_space<hbm>>
      %dma_wait3A_59 = arith.constant 0 : i32
      %dma_wait3A_60 = tpu.memref_slice %arg2[%mul3A_56, %dma_wait3A_59] : memref<163840x128xf32, #tpu.memory_space<hbm>> -> memref<128x128xf32, #tpu.memory_space<hbm>>
      tpu.wait_dma2 semaphore(%arg13 : memref<!tpu.dma_semaphore, #tpu.memory_space<semaphore_mem>>) src(%dma_wait3A_60 : memref<128x128xf32, #tpu.memory_space<hbm>>) dst(%arg9 : memref<128x128xf32, #tpu.memory_space<vmem>>)
      "tpu.region"() ({
        %run_scoped3A = tpu.sem_alloc : memref<!tpu.dma_semaphore, #tpu.memory_space<semaphore_mem>>
        %dma_start3A_80 = arith.constant 0 : i32
        %dma_start3A_81 = arith.constant 0 : i32
        %dma_start3A_82 = tpu.memref_slice %arg6[%dma_start3A_80, %dma_start3A_81] : memref<10240x128xf32, #tpu.memory_space<vmem_shared>> -> memref<10240x128xf32, #tpu.memory_space<vmem_shared>>
        tpu.enqueue_indirect_dma source(%arg9 : memref<128x128xf32, #tpu.memory_space<vmem>>) target(%dma_start3A_82 : memref<10240x128xf32, #tpu.memory_space<vmem_shared>>) offsets(%arg7 : memref<128xi32, #tpu.memory_space<vmem>>) semaphore(%run_scoped3A : memref<!tpu.dma_semaphore, #tpu.memory_space<semaphore_mem>>) {add = true}
        %dma_wait3A_83 = arith.constant 0 : i32
        %dma_wait3A_84 = arith.constant 0 : i32
        %dma_wait3A_85 = tpu.memref_slice %arg6[%dma_wait3A_83, %dma_wait3A_84] : memref<10240x128xf32, #tpu.memory_space<vmem_shared>> -> memref<10240x128xf32, #tpu.memory_space<vmem_shared>>
        tpu.wait_indirect_dma semaphore(%run_scoped3A : memref<!tpu.dma_semaphore, #tpu.memory_space<semaphore_mem>>) src(%arg9 : memref<128x128xf32, #tpu.memory_space<vmem>>) dst(%dma_wait3A_85 : memref<10240x128xf32, #tpu.memory_space<vmem_shared>>)
        tpu.yield
      }) : () -> ()
      %lt3A = arith.constant 19 : i32
      %lt3A_61 = arith.cmpi slt, %scan3A_29, %lt3A : i32
      %convert_element_type3A = arith.extui %lt3A_61 : i1 to i32
      %cond3A = arith.constant 0 : i32
      %cond3A_62 = arith.cmpi ne, %convert_element_type3A, %cond3A : i32
      scf.if %cond3A_62 {
        %mul3A_80 = arith.constant 2 : i32
        %mul3A_81 = arith.muli %mul3A_80, %scan3A_29 : i32
        %add3A_82 = arith.addi %mul3A_2, %mul3A_81 : i32
        %add3A_83 = arith.constant 2 : i32
        %add3A_84 = arith.addi %add3A_82, %add3A_83 : i32
        %dma_start3A_85 = arith.constant 0 : i32
        %dma_start3A_86 = tpu.memref_slice %arg3[%add3A_84, %dma_start3A_85] : memref<1280x128xi32, #tpu.memory_space<hbm>> -> memref<1x128xi32, #tpu.memory_space<hbm>>
        %dma_start3A_87 = tpu.memref_squeeze %dma_start3A_86 : memref<1x128xi32, #tpu.memory_space<hbm>> -> memref<128xi32, #tpu.memory_space<hbm>>
        %dma_start3A_88 = arith.constant 0 : i32
        %dma_start3A_89 = tpu.memref_slice %arg3[%add3A_84, %dma_start3A_88] : memref<1280x128xi32, #tpu.memory_space<hbm>> -> memref<1x128xi32, #tpu.memory_space<hbm>>
        %dma_start3A_90 = tpu.memref_squeeze %dma_start3A_89 : memref<1x128xi32, #tpu.memory_space<hbm>> -> memref<128xi32, #tpu.memory_space<hbm>>
        tpu.enqueue_dma source(%dma_start3A_90 : memref<128xi32, #tpu.memory_space<hbm>>) target(%arg7 : memref<128xi32, #tpu.memory_space<vmem>>) target_semaphore(%arg11 : memref<!tpu.dma_semaphore, #tpu.memory_space<semaphore_mem>>)
        %mul3A_91 = arith.constant 128 : i32
        %mul3A_92 = arith.muli %add3A_84, %mul3A_91 : i32
        %dma_start3A_93 = arith.constant 0 : i32
        %dma_start3A_94 = tpu.memref_slice %arg2[%mul3A_92, %dma_start3A_93] : memref<163840x128xf32, #tpu.memory_space<hbm>> -> memref<128x128xf32, #tpu.memory_space<hbm>>
        %dma_start3A_95 = arith.constant 0 : i32
        %dma_start3A_96 = tpu.memref_slice %arg2[%mul3A_92, %dma_start3A_95] : memref<163840x128xf32, #tpu.memory_space<hbm>> -> memref<128x128xf32, #tpu.memory_space<hbm>>
        tpu.enqueue_dma source(%dma_start3A_96 : memref<128x128xf32, #tpu.memory_space<hbm>>) target(%arg9 : memref<128x128xf32, #tpu.memory_space<vmem>>) target_semaphore(%arg13 : memref<!tpu.dma_semaphore, #tpu.memory_space<semaphore_mem>>)
      } else {
      }
      %mul3A_63 = arith.constant 2 : i32
      %mul3A_64 = arith.muli %mul3A_63, %scan3A_29 : i32
      %add3A_65 = arith.addi %mul3A_2, %mul3A_64 : i32
      %add3A_66 = arith.constant 1 : i32
      %add3A_67 = arith.addi %add3A_65, %add3A_66 : i32
      %dma_wait3A_68 = arith.constant 0 : i32
      %dma_wait3A_69 = tpu.memref_slice %arg3[%add3A_67, %dma_wait3A_68] : memref<1280x128xi32, #tpu.memory_space<hbm>> -> memref<1x128xi32, #tpu.memory_space<hbm>>
      %dma_wait3A_70 = tpu.memref_squeeze %dma_wait3A_69 : memref<1x128xi32, #tpu.memory_space<hbm>> -> memref<128xi32, #tpu.memory_space<hbm>>
      %dma_wait3A_71 = arith.constant 0 : i32
      %dma_wait3A_72 = tpu.memref_slice %arg3[%add3A_67, %dma_wait3A_71] : memref<1280x128xi32, #tpu.memory_space<hbm>> -> memref<1x128xi32, #tpu.memory_space<hbm>>
      %dma_wait3A_73 = tpu.memref_squeeze %dma_wait3A_72 : memref<1x128xi32, #tpu.memory_space<hbm>> -> memref<128xi32, #tpu.memory_space<hbm>>
      tpu.wait_dma2 semaphore(%arg12 : memref<!tpu.dma_semaphore, #tpu.memory_space<semaphore_mem>>) src(%dma_wait3A_73 : memref<128xi32, #tpu.memory_space<hbm>>) dst(%arg8 : memref<128xi32, #tpu.memory_space<vmem>>)
      %mul3A_74 = arith.constant 128 : i32
      %mul3A_75 = arith.muli %add3A_67, %mul3A_74 : i32
      %dma_wait3A_76 = arith.constant 0 : i32
      %dma_wait3A_77 = tpu.memref_slice %arg2[%mul3A_75, %dma_wait3A_76] : memref<163840x128xf32, #tpu.memory_space<hbm>> -> memref<128x128xf32, #tpu.memory_space<hbm>>
      %dma_wait3A_78 = arith.constant 0 : i32
      %dma_wait3A_79 = tpu.memref_slice %arg2[%mul3A_75, %dma_wait3A_78] : memref<163840x128xf32, #tpu.memory_space<hbm>> -> memref<128x128xf32, #tpu.memory_space<hbm>>
      tpu.wait_dma2 semaphore(%arg14 : memref<!tpu.dma_semaphore, #tpu.memory_space<semaphore_mem>>) src(%dma_wait3A_79 : memref<128x128xf32, #tpu.memory_space<hbm>>) dst(%arg10 : memref<128x128xf32, #tpu.memory_space<vmem>>)
      "tpu.region"() ({
        %run_scoped3A = tpu.sem_alloc : memref<!tpu.dma_semaphore, #tpu.memory_space<semaphore_mem>>
        %dma_start3A_80 = arith.constant 0 : i32
        %dma_start3A_81 = arith.constant 0 : i32
        %dma_start3A_82 = tpu.memref_slice %arg6[%dma_start3A_80, %dma_start3A_81] : memref<10240x128xf32, #tpu.memory_space<vmem_shared>> -> memref<10240x128xf32, #tpu.memory_space<vmem_shared>>
        tpu.enqueue_indirect_dma source(%arg10 : memref<128x128xf32, #tpu.memory_space<vmem>>) target(%dma_start3A_82 : memref<10240x128xf32, #tpu.memory_space<vmem_shared>>) offsets(%arg8 : memref<128xi32, #tpu.memory_space<vmem>>) semaphore(%run_scoped3A : memref<!tpu.dma_semaphore, #tpu.memory_space<semaphore_mem>>) {add = true}
        %dma_wait3A_83 = arith.constant 0 : i32
        %dma_wait3A_84 = arith.constant 0 : i32
        %dma_wait3A_85 = tpu.memref_slice %arg6[%dma_wait3A_83, %dma_wait3A_84] : memref<10240x128xf32, #tpu.memory_space<vmem_shared>> -> memref<10240x128xf32, #tpu.memory_space<vmem_shared>>
        tpu.wait_indirect_dma semaphore(%run_scoped3A : memref<!tpu.dma_semaphore, #tpu.memory_space<semaphore_mem>>) src(%arg10 : memref<128x128xf32, #tpu.memory_space<vmem>>) dst(%dma_wait3A_85 : memref<10240x128xf32, #tpu.memory_space<vmem_shared>>)
        tpu.yield
      }) : () -> ()
    }
    %scan3A_20 = arith.constant 20 : i32
    %barrier3A_21 = arith.constant 0 : index
    tpu.barrier barrier_id(%barrier3A_21)
    %mul3A_22 = arith.constant 10240 : i32
    %mul3A_23 = arith.muli %arg0, %mul3A_22 : i32
    %mul3A_24 = arith.constant 640 : i32
    %mul3A_25 = arith.muli %arg1, %mul3A_24 : i32
    %add3A_26 = arith.addi %mul3A_23, %mul3A_25 : i32
    %mul3A_27 = arith.constant 640 : i32
    %mul3A_28 = arith.muli %arg1, %mul3A_27 : i32
    "tpu.region"() ({
      %run_scoped3A = tpu.sem_alloc : memref<!tpu.dma_semaphore, #tpu.memory_space<semaphore_mem>>
      %dma_start3A_29 = arith.constant 0 : i32
      %dma_start3A_30 = tpu.memref_slice %arg5[%add3A_26, %dma_start3A_29] : memref<20480x128xf32, #tpu.memory_space<hbm>> -> memref<640x128xf32, #tpu.memory_space<hbm>>
      %dma_start3A_31 = arith.constant 0 : i32
      %dma_start3A_32 = tpu.memref_slice %arg6[%mul3A_28, %dma_start3A_31] : memref<10240x128xf32, #tpu.memory_space<vmem_shared>> -> memref<640x128xf32, #tpu.memory_space<vmem_shared>>
      tpu.enqueue_dma source(%dma_start3A_32 : memref<640x128xf32, #tpu.memory_space<vmem_shared>>) target(%dma_start3A_30 : memref<640x128xf32, #tpu.memory_space<hbm>>) target_semaphore(%run_scoped3A : memref<!tpu.dma_semaphore, #tpu.memory_space<semaphore_mem>>)
      %dma_wait3A = arith.constant 0 : i32
      %dma_wait3A_33 = tpu.memref_slice %arg5[%add3A_26, %dma_wait3A] : memref<20480x128xf32, #tpu.memory_space<hbm>> -> memref<640x128xf32, #tpu.memory_space<hbm>>
      %dma_wait3A_34 = arith.constant 0 : i32
      %dma_wait3A_35 = tpu.memref_slice %arg6[%mul3A_28, %dma_wait3A_34] : memref<10240x128xf32, #tpu.memory_space<vmem_shared>> -> memref<640x128xf32, #tpu.memory_space<vmem_shared>>
      tpu.wait_dma2 semaphore(%run_scoped3A : memref<!tpu.dma_semaphore, #tpu.memory_space<semaphore_mem>>) src(%dma_wait3A_35 : memref<640x128xf32, #tpu.memory_space<vmem_shared>>) dst(%dma_wait3A_33 : memref<640x128xf32, #tpu.memory_space<hbm>>)
      tpu.yield
    }) : () -> ()
    return
  }
}

#map = affine_map<(d0, d1) -> (0, 0)>
module attributes {stable_mosaic.version = 14 : i64} {
  func.func @_sc_body(%arg0: i32, %arg1: i32, %arg2: memref<163840x128xf32, #tpu.memory_space<hbm>>, %arg3: memref<1280x128xi32, #tpu.memory_space<hbm>>, %arg4: memref<640x128xf32, #tpu.memory_space<hbm>>, %arg5: memref<20480x128xf32, #tpu.memory_space<hbm>>, %arg6: memref<10240x128xf32, #tpu.memory_space<vmem_shared>>, %arg7: memref<128xi32, #tpu.memory_space<vmem>>, %arg8: memref<128xi32, #tpu.memory_space<vmem>>, %arg9: memref<128x128xf32, #tpu.memory_space<vmem>>, %arg10: memref<128x128xf32, #tpu.memory_space<vmem>>, %arg11: memref<!tpu.dma_semaphore, #tpu.memory_space<semaphore_mem>>, %arg12: memref<!tpu.dma_semaphore, #tpu.memory_space<semaphore_mem>>, %arg13: memref<!tpu.dma_semaphore, #tpu.memory_space<semaphore_mem>>, %arg14: memref<!tpu.dma_semaphore, #tpu.memory_space<semaphore_mem>>) attributes {dimension_semantics = [#tpu.dimension_semantics<core_parallel>, #tpu.dimension_semantics<subcore_parallel>], iteration_bounds = array<i64: 2, 16>, scalar_prefetch = 0 : i64, scratch_operands = 9 : i64, tpu.core_type = #tpu.core_type<sc_vector_subcore>, window_params = [{transform_indices = #map}, {transform_indices = #map}, {transform_indices = #map}, {transform_indices = #map}]} {
    %mul3A = arith.constant 2 : i32
    %mul3A_0 = arith.muli %arg1, %mul3A : i32
    %add3A = arith.addi %mul3A_0, %arg0 : i32
    %mul3A_1 = arith.constant 40 : i32
    %mul3A_2 = arith.muli %add3A, %mul3A_1 : i32
    %dma_start3A = arith.constant 0 : i32
    %dma_start3A_3 = tpu.memref_slice %arg3[%mul3A_2, %dma_start3A] : memref<1280x128xi32, #tpu.memory_space<hbm>> -> memref<1x128xi32, #tpu.memory_space<hbm>>
    %dma_start3A_4 = tpu.memref_squeeze %dma_start3A_3 : memref<1x128xi32, #tpu.memory_space<hbm>> -> memref<128xi32, #tpu.memory_space<hbm>>
    %dma_start3A_5 = arith.constant 0 : i32
    %dma_start3A_6 = tpu.memref_slice %arg3[%mul3A_2, %dma_start3A_5] : memref<1280x128xi32, #tpu.memory_space<hbm>> -> memref<1x128xi32, #tpu.memory_space<hbm>>
    %dma_start3A_7 = tpu.memref_squeeze %dma_start3A_6 : memref<1x128xi32, #tpu.memory_space<hbm>> -> memref<128xi32, #tpu.memory_space<hbm>>
    tpu.enqueue_dma source(%dma_start3A_7 : memref<128xi32, #tpu.memory_space<hbm>>) target(%arg7 : memref<128xi32, #tpu.memory_space<vmem>>) target_semaphore(%arg11 : memref<!tpu.dma_semaphore, #tpu.memory_space<semaphore_mem>>)
    %mul3A_8 = arith.constant 128 : i32
    %mul3A_9 = arith.muli %mul3A_2, %mul3A_8 : i32
    %dma_start3A_10 = arith.constant 0 : i32
    %dma_start3A_11 = tpu.memref_slice %arg2[%mul3A_9, %dma_start3A_10] : memref<163840x128xf32, #tpu.memory_space<hbm>> -> memref<128x128xf32, #tpu.memory_space<hbm>>
    %dma_start3A_12 = arith.constant 0 : i32
    %dma_start3A_13 = tpu.memref_slice %arg2[%mul3A_9, %dma_start3A_12] : memref<163840x128xf32, #tpu.memory_space<hbm>> -> memref<128x128xf32, #tpu.memory_space<hbm>>
    tpu.enqueue_dma source(%dma_start3A_13 : memref<128x128xf32, #tpu.memory_space<hbm>>) target(%arg9 : memref<128x128xf32, #tpu.memory_space<vmem>>) target_semaphore(%arg13 : memref<!tpu.dma_semaphore, #tpu.memory_space<semaphore_mem>>)
    %mul3A_14 = arith.constant 640 : i32
    %mul3A_15 = arith.muli %arg1, %mul3A_14 : i32
    "tpu.region"() ({
      %run_scoped3A = tpu.sem_alloc : memref<!tpu.dma_semaphore, #tpu.memory_space<semaphore_mem>>
      %dma_start3A_29 = arith.constant 0 : i32
      %dma_start3A_30 = tpu.memref_slice %arg6[%mul3A_15, %dma_start3A_29] : memref<10240x128xf32, #tpu.memory_space<vmem_shared>> -> memref<640x128xf32, #tpu.memory_space<vmem_shared>>
      tpu.enqueue_dma source(%arg4 : memref<640x128xf32, #tpu.memory_space<hbm>>) target(%dma_start3A_30 : memref<640x128xf32, #tpu.memory_space<vmem_shared>>) target_semaphore(%run_scoped3A : memref<!tpu.dma_semaphore, #tpu.memory_space<semaphore_mem>>)
      %dma_wait3A = arith.constant 0 : i32
      %dma_wait3A_31 = tpu.memref_slice %arg6[%mul3A_15, %dma_wait3A] : memref<10240x128xf32, #tpu.memory_space<vmem_shared>> -> memref<640x128xf32, #tpu.memory_space<vmem_shared>>
      tpu.wait_dma2 semaphore(%run_scoped3A : memref<!tpu.dma_semaphore, #tpu.memory_space<semaphore_mem>>) src(%arg4 : memref<640x128xf32, #tpu.memory_space<hbm>>) dst(%dma_wait3A_31 : memref<640x128xf32, #tpu.memory_space<vmem_shared>>)
      tpu.yield
    }) : () -> ()
    %barrier3A = arith.constant 0 : index
    tpu.barrier barrier_id(%barrier3A)
    %scan3A = arith.constant 0 : i32
    %scan3A_16 = arith.constant 0 : i32
    %scan3A_17 = arith.constant 20 : i32
    %scan3A_18 = arith.addi %scan3A_16, %scan3A_17 : i32
    %scan3A_19 = arith.constant 1 : i32
    scf.for %scan3A_29 = %scan3A_16 to %scan3A_18 step %scan3A_19  : i32 {
      %mul3A_30 = arith.constant 2 : i32
      %mul3A_31 = arith.muli %mul3A_30, %scan3A_29 : i32
      %add3A_32 = arith.addi %mul3A_2, %mul3A_31 : i32
      %add3A_33 = arith.constant 1 : i32
      %add3A_34 = arith.addi %add3A_32, %add3A_33 : i32
      %dma_start3A_35 = arith.constant 0 : i32
      %dma_start3A_36 = tpu.memref_slice %arg3[%add3A_34, %dma_start3A_35] : memref<1280x128xi32, #tpu.memory_space<hbm>> -> memref<1x128xi32, #tpu.memory_space<hbm>>
      %dma_start3A_37 = tpu.memref_squeeze %dma_start3A_36 : memref<1x128xi32, #tpu.memory_space<hbm>> -> memref<128xi32, #tpu.memory_space<hbm>>
      %dma_start3A_38 = arith.constant 0 : i32
      %dma_start3A_39 = tpu.memref_slice %arg3[%add3A_34, %dma_start3A_38] : memref<1280x128xi32, #tpu.memory_space<hbm>> -> memref<1x128xi32, #tpu.memory_space<hbm>>
      %dma_start3A_40 = tpu.memref_squeeze %dma_start3A_39 : memref<1x128xi32, #tpu.memory_space<hbm>> -> memref<128xi32, #tpu.memory_space<hbm>>
      tpu.enqueue_dma source(%dma_start3A_40 : memref<128xi32, #tpu.memory_space<hbm>>) target(%arg8 : memref<128xi32, #tpu.memory_space<vmem>>) target_semaphore(%arg12 : memref<!tpu.dma_semaphore, #tpu.memory_space<semaphore_mem>>)
      %mul3A_41 = arith.constant 128 : i32
      %mul3A_42 = arith.muli %add3A_34, %mul3A_41 : i32
      %dma_start3A_43 = arith.constant 0 : i32
      %dma_start3A_44 = tpu.memref_slice %arg2[%mul3A_42, %dma_start3A_43] : memref<163840x128xf32, #tpu.memory_space<hbm>> -> memref<128x128xf32, #tpu.memory_space<hbm>>
      %dma_start3A_45 = arith.constant 0 : i32
      %dma_start3A_46 = tpu.memref_slice %arg2[%mul3A_42, %dma_start3A_45] : memref<163840x128xf32, #tpu.memory_space<hbm>> -> memref<128x128xf32, #tpu.memory_space<hbm>>
      tpu.enqueue_dma source(%dma_start3A_46 : memref<128x128xf32, #tpu.memory_space<hbm>>) target(%arg10 : memref<128x128xf32, #tpu.memory_space<vmem>>) target_semaphore(%arg14 : memref<!tpu.dma_semaphore, #tpu.memory_space<semaphore_mem>>)
      %mul3A_47 = arith.constant 2 : i32
      %mul3A_48 = arith.muli %mul3A_47, %scan3A_29 : i32
      %add3A_49 = arith.addi %mul3A_2, %mul3A_48 : i32
      %dma_wait3A = arith.constant 0 : i32
      %dma_wait3A_50 = tpu.memref_slice %arg3[%add3A_49, %dma_wait3A] : memref<1280x128xi32, #tpu.memory_space<hbm>> -> memref<1x128xi32, #tpu.memory_space<hbm>>
      %dma_wait3A_51 = tpu.memref_squeeze %dma_wait3A_50 : memref<1x128xi32, #tpu.memory_space<hbm>> -> memref<128xi32, #tpu.memory_space<hbm>>
      %dma_wait3A_52 = arith.constant 0 : i32
      %dma_wait3A_53 = tpu.memref_slice %arg3[%add3A_49, %dma_wait3A_52] : memref<1280x128xi32, #tpu.memory_space<hbm>> -> memref<1x128xi32, #tpu.memory_space<hbm>>
      %dma_wait3A_54 = tpu.memref_squeeze %dma_wait3A_53 : memref<1x128xi32, #tpu.memory_space<hbm>> -> memref<128xi32, #tpu.memory_space<hbm>>
      tpu.wait_dma2 semaphore(%arg11 : memref<!tpu.dma_semaphore, #tpu.memory_space<semaphore_mem>>) src(%dma_wait3A_54 : memref<128xi32, #tpu.memory_space<hbm>>) dst(%arg7 : memref<128xi32, #tpu.memory_space<vmem>>)
      %mul3A_55 = arith.constant 128 : i32
      %mul3A_56 = arith.muli %add3A_49, %mul3A_55 : i32
      %dma_wait3A_57 = arith.constant 0 : i32
      %dma_wait3A_58 = tpu.memref_slice %arg2[%mul3A_56, %dma_wait3A_57] : memref<163840x128xf32, #tpu.memory_space<hbm>> -> memref<128x128xf32, #tpu.memory_space<hbm>>
      %dma_wait3A_59 = arith.constant 0 : i32
      %dma_wait3A_60 = tpu.memref_slice %arg2[%mul3A_56, %dma_wait3A_59] : memref<163840x128xf32, #tpu.memory_space<hbm>> -> memref<128x128xf32, #tpu.memory_space<hbm>>
      tpu.wait_dma2 semaphore(%arg13 : memref<!tpu.dma_semaphore, #tpu.memory_space<semaphore_mem>>) src(%dma_wait3A_60 : memref<128x128xf32, #tpu.memory_space<hbm>>) dst(%arg9 : memref<128x128xf32, #tpu.memory_space<vmem>>)
      "tpu.region"() ({
        %run_scoped3A = tpu.sem_alloc : memref<!tpu.dma_semaphore, #tpu.memory_space<semaphore_mem>>
        %dma_start3A_80 = arith.constant 0 : i32
        %dma_start3A_81 = arith.constant 0 : i32
        %dma_start3A_82 = tpu.memref_slice %arg6[%dma_start3A_80, %dma_start3A_81] : memref<10240x128xf32, #tpu.memory_space<vmem_shared>> -> memref<10240x128xf32, #tpu.memory_space<vmem_shared>>
        tpu.enqueue_indirect_dma source(%arg9 : memref<128x128xf32, #tpu.memory_space<vmem>>) target(%dma_start3A_82 : memref<10240x128xf32, #tpu.memory_space<vmem_shared>>) offsets(%arg7 : memref<128xi32, #tpu.memory_space<vmem>>) semaphore(%run_scoped3A : memref<!tpu.dma_semaphore, #tpu.memory_space<semaphore_mem>>) {add = true}
        %dma_wait3A_83 = arith.constant 0 : i32
        %dma_wait3A_84 = arith.constant 0 : i32
        %dma_wait3A_85 = tpu.memref_slice %arg6[%dma_wait3A_83, %dma_wait3A_84] : memref<10240x128xf32, #tpu.memory_space<vmem_shared>> -> memref<10240x128xf32, #tpu.memory_space<vmem_shared>>
        tpu.wait_indirect_dma semaphore(%run_scoped3A : memref<!tpu.dma_semaphore, #tpu.memory_space<semaphore_mem>>) src(%arg9 : memref<128x128xf32, #tpu.memory_space<vmem>>) dst(%dma_wait3A_85 : memref<10240x128xf32, #tpu.memory_space<vmem_shared>>)
        tpu.yield
      }) : () -> ()
      %lt3A = arith.constant 19 : i32
      %lt3A_61 = arith.cmpi slt, %scan3A_29, %lt3A : i32
      %convert_element_type3A = arith.extui %lt3A_61 : i1 to i32
      %cond3A = arith.constant 0 : i32
      %cond3A_62 = arith.cmpi ne, %convert_element_type3A, %cond3A : i32
      scf.if %cond3A_62 {
        %mul3A_80 = arith.constant 2 : i32
        %mul3A_81 = arith.muli %mul3A_80, %scan3A_29 : i32
        %add3A_82 = arith.addi %mul3A_2, %mul3A_81 : i32
        %add3A_83 = arith.constant 2 : i32
        %add3A_84 = arith.addi %add3A_82, %add3A_83 : i32
        %dma_start3A_85 = arith.constant 0 : i32
        %dma_start3A_86 = tpu.memref_slice %arg3[%add3A_84, %dma_start3A_85] : memref<1280x128xi32, #tpu.memory_space<hbm>> -> memref<1x128xi32, #tpu.memory_space<hbm>>
        %dma_start3A_87 = tpu.memref_squeeze %dma_start3A_86 : memref<1x128xi32, #tpu.memory_space<hbm>> -> memref<128xi32, #tpu.memory_space<hbm>>
        %dma_start3A_88 = arith.constant 0 : i32
        %dma_start3A_89 = tpu.memref_slice %arg3[%add3A_84, %dma_start3A_88] : memref<1280x128xi32, #tpu.memory_space<hbm>> -> memref<1x128xi32, #tpu.memory_space<hbm>>
        %dma_start3A_90 = tpu.memref_squeeze %dma_start3A_89 : memref<1x128xi32, #tpu.memory_space<hbm>> -> memref<128xi32, #tpu.memory_space<hbm>>
        tpu.enqueue_dma source(%dma_start3A_90 : memref<128xi32, #tpu.memory_space<hbm>>) target(%arg7 : memref<128xi32, #tpu.memory_space<vmem>>) target_semaphore(%arg11 : memref<!tpu.dma_semaphore, #tpu.memory_space<semaphore_mem>>)
        %mul3A_91 = arith.constant 128 : i32
        %mul3A_92 = arith.muli %add3A_84, %mul3A_91 : i32
        %dma_start3A_93 = arith.constant 0 : i32
        %dma_start3A_94 = tpu.memref_slice %arg2[%mul3A_92, %dma_start3A_93] : memref<163840x128xf32, #tpu.memory_space<hbm>> -> memref<128x128xf32, #tpu.memory_space<hbm>>
        %dma_start3A_95 = arith.constant 0 : i32
        %dma_start3A_96 = tpu.memref_slice %arg2[%mul3A_92, %dma_start3A_95] : memref<163840x128xf32, #tpu.memory_space<hbm>> -> memref<128x128xf32, #tpu.memory_space<hbm>>
        tpu.enqueue_dma source(%dma_start3A_96 : memref<128x128xf32, #tpu.memory_space<hbm>>) target(%arg9 : memref<128x128xf32, #tpu.memory_space<vmem>>) target_semaphore(%arg13 : memref<!tpu.dma_semaphore, #tpu.memory_space<semaphore_mem>>)
      } else {
      }
      %mul3A_63 = arith.constant 2 : i32
      %mul3A_64 = arith.muli %mul3A_63, %scan3A_29 : i32
      %add3A_65 = arith.addi %mul3A_2, %mul3A_64 : i32
      %add3A_66 = arith.constant 1 : i32
      %add3A_67 = arith.addi %add3A_65, %add3A_66 : i32
      %dma_wait3A_68 = arith.constant 0 : i32
      %dma_wait3A_69 = tpu.memref_slice %arg3[%add3A_67, %dma_wait3A_68] : memref<1280x128xi32, #tpu.memory_space<hbm>> -> memref<1x128xi32, #tpu.memory_space<hbm>>
      %dma_wait3A_70 = tpu.memref_squeeze %dma_wait3A_69 : memref<1x128xi32, #tpu.memory_space<hbm>> -> memref<128xi32, #tpu.memory_space<hbm>>
      %dma_wait3A_71 = arith.constant 0 : i32
      %dma_wait3A_72 = tpu.memref_slice %arg3[%add3A_67, %dma_wait3A_71] : memref<1280x128xi32, #tpu.memory_space<hbm>> -> memref<1x128xi32, #tpu.memory_space<hbm>>
      %dma_wait3A_73 = tpu.memref_squeeze %dma_wait3A_72 : memref<1x128xi32, #tpu.memory_space<hbm>> -> memref<128xi32, #tpu.memory_space<hbm>>
      tpu.wait_dma2 semaphore(%arg12 : memref<!tpu.dma_semaphore, #tpu.memory_space<semaphore_mem>>) src(%dma_wait3A_73 : memref<128xi32, #tpu.memory_space<hbm>>) dst(%arg8 : memref<128xi32, #tpu.memory_space<vmem>>)
      %mul3A_74 = arith.constant 128 : i32
      %mul3A_75 = arith.muli %add3A_67, %mul3A_74 : i32
      %dma_wait3A_76 = arith.constant 0 : i32
      %dma_wait3A_77 = tpu.memref_slice %arg2[%mul3A_75, %dma_wait3A_76] : memref<163840x128xf32, #tpu.memory_space<hbm>> -> memref<128x128xf32, #tpu.memory_space<hbm>>
      %dma_wait3A_78 = arith.constant 0 : i32
      %dma_wait3A_79 = tpu.memref_slice %arg2[%mul3A_75, %dma_wait3A_78] : memref<163840x128xf32, #tpu.memory_space<hbm>> -> memref<128x128xf32, #tpu.memory_space<hbm>>
      tpu.wait_dma2 semaphore(%arg14 : memref<!tpu.dma_semaphore, #tpu.memory_space<semaphore_mem>>) src(%dma_wait3A_79 : memref<128x128xf32, #tpu.memory_space<hbm>>) dst(%arg10 : memref<128x128xf32, #tpu.memory_space<vmem>>)
      "tpu.region"() ({
        %run_scoped3A = tpu.sem_alloc : memref<!tpu.dma_semaphore, #tpu.memory_space<semaphore_mem>>
        %dma_start3A_80 = arith.constant 0 : i32
        %dma_start3A_81 = arith.constant 0 : i32
        %dma_start3A_82 = tpu.memref_slice %arg6[%dma_start3A_80, %dma_start3A_81] : memref<10240x128xf32, #tpu.memory_space<vmem_shared>> -> memref<10240x128xf32, #tpu.memory_space<vmem_shared>>
        tpu.enqueue_indirect_dma source(%arg10 : memref<128x128xf32, #tpu.memory_space<vmem>>) target(%dma_start3A_82 : memref<10240x128xf32, #tpu.memory_space<vmem_shared>>) offsets(%arg8 : memref<128xi32, #tpu.memory_space<vmem>>) semaphore(%run_scoped3A : memref<!tpu.dma_semaphore, #tpu.memory_space<semaphore_mem>>) {add = true}
        %dma_wait3A_83 = arith.constant 0 : i32
        %dma_wait3A_84 = arith.constant 0 : i32
        %dma_wait3A_85 = tpu.memref_slice %arg6[%dma_wait3A_83, %dma_wait3A_84] : memref<10240x128xf32, #tpu.memory_space<vmem_shared>> -> memref<10240x128xf32, #tpu.memory_space<vmem_shared>>
        tpu.wait_indirect_dma semaphore(%run_scoped3A : memref<!tpu.dma_semaphore, #tpu.memory_space<semaphore_mem>>) src(%arg10 : memref<128x128xf32, #tpu.memory_space<vmem>>) dst(%dma_wait3A_85 : memref<10240x128xf32, #tpu.memory_space<vmem_shared>>)
        tpu.yield
      }) : () -> ()
    }
    %scan3A_20 = arith.constant 20 : i32
    %barrier3A_21 = arith.constant 0 : index
    tpu.barrier barrier_id(%barrier3A_21)
    %mul3A_22 = arith.constant 10240 : i32
    %mul3A_23 = arith.muli %arg0, %mul3A_22 : i32
    %mul3A_24 = arith.constant 640 : i32
    %mul3A_25 = arith.muli %arg1, %mul3A_24 : i32
    %add3A_26 = arith.addi %mul3A_23, %mul3A_25 : i32
    %mul3A_27 = arith.constant 640 : i32
    %mul3A_28 = arith.muli %arg1, %mul3A_27 : i32
    "tpu.region"() ({
      %run_scoped3A = tpu.sem_alloc : memref<!tpu.dma_semaphore, #tpu.memory_space<semaphore_mem>>
      %dma_start3A_29 = arith.constant 0 : i32
      %dma_start3A_30 = tpu.memref_slice %arg5[%add3A_26, %dma_start3A_29] : memref<20480x128xf32, #tpu.memory_space<hbm>> -> memref<640x128xf32, #tpu.memory_space<hbm>>
      %dma_start3A_31 = arith.constant 0 : i32
      %dma_start3A_32 = tpu.memref_slice %arg6[%mul3A_28, %dma_start3A_31] : memref<10240x128xf32, #tpu.memory_space<vmem_shared>> -> memref<640x128xf32, #tpu.memory_space<vmem_shared>>
      tpu.enqueue_dma source(%dma_start3A_32 : memref<640x128xf32, #tpu.memory_space<vmem_shared>>) target(%dma_start3A_30 : memref<640x128xf32, #tpu.memory_space<hbm>>) target_semaphore(%run_scoped3A : memref<!tpu.dma_semaphore, #tpu.memory_space<semaphore_mem>>)
      %dma_wait3A = arith.constant 0 : i32
      %dma_wait3A_33 = tpu.memref_slice %arg5[%add3A_26, %dma_wait3A] : memref<20480x128xf32, #tpu.memory_space<hbm>> -> memref<640x128xf32, #tpu.memory_space<hbm>>
      %dma_wait3A_34 = arith.constant 0 : i32
      %dma_wait3A_35 = tpu.memref_slice %arg6[%mul3A_28, %dma_wait3A_34] : memref<10240x128xf32, #tpu.memory_space<vmem_shared>> -> memref<640x128xf32, #tpu.memory_space<vmem_shared>>
      tpu.wait_dma2 semaphore(%run_scoped3A : memref<!tpu.dma_semaphore, #tpu.memory_space<semaphore_mem>>) src(%dma_wait3A_35 : memref<640x128xf32, #tpu.memory_space<vmem_shared>>) dst(%dma_wait3A_33 : memref<640x128xf32, #tpu.memory_space<hbm>>)
      tpu.yield
    }) : () -> ()
    return
  }
}

module attributes {stable_mosaic.version = 14 : i64} {
  func.func @_edge_body(%arg0: i32, %arg1: memref<8x2048xf32, #tpu.memory_space<vmem>>, %arg2: memref<1x2048xf32, #tpu.memory_space<vmem>>, %arg3: memref<8x64xf32, #tpu.memory_space<vmem>>, %arg4: memref<64x64xf32, #tpu.memory_space<vmem>>, %arg5: memref<64x64xf32, #tpu.memory_space<vmem>>, %arg6: memref<64x128xf32, #tpu.memory_space<vmem>>, %arg7: memref<2048x128xf32, #tpu.memory_space<vmem>>) attributes {dimension_semantics = [#tpu.dimension_semantics<arbitrary>], iteration_bounds = array<i64: 80>, scalar_prefetch = 0 : i64, scratch_operands = 0 : i64, tpu.core_type = #tpu.core_type<tc>, window_params = [{transform_indices = @transform_0, window_bounds = array<i64: 8, 2048>}, {transform_indices = @transform_1, window_bounds = array<i64: 1, 2048>}, {pipeline_mode = #tpu.pipeline_mode<synchronous>, transform_indices = @transform_2, window_bounds = array<i64: 8, 64>}, {pipeline_mode = #tpu.pipeline_mode<synchronous>, transform_indices = @transform_3, window_bounds = array<i64: 64, 64>}, {pipeline_mode = #tpu.pipeline_mode<synchronous>, transform_indices = @transform_4, window_bounds = array<i64: 64, 64>}, {pipeline_mode = #tpu.pipeline_mode<synchronous>, transform_indices = @transform_5, window_bounds = array<i64: 64, 128>}, {transform_indices = @transform_6, window_bounds = array<i64: 2048, 128>}]} {
    %add3A = arith.constant 80 : i32
    %add3A_0 = arith.addi %arg0, %add3A : i32
    %get3A = arith.constant 0 : index
    %get3A_1 = arith.constant 0 : index
    %get3A_2 = vector.load %arg3[%get3A, %get3A_1] : memref<8x64xf32, #tpu.memory_space<vmem>>, vector<8x64xf32>
    %get3A_3 = arith.constant 0 : index
    %get3A_4 = arith.constant 0 : index
    %get3A_5 = vector.load %arg1[%get3A_3, %get3A_4] : memref<8x2048xf32, #tpu.memory_space<vmem>>, vector<8x2048xf32>
    %dot_general3A = arith.constant dense<0.000000e+00> : vector<64x2048xf32>
    %dot_general3A_6 = tpu.matmul %get3A_2, %get3A_5, %dot_general3A {dimension_numbers = #tpu.dot_dimension_numbers<[0], [0], [1], [1], [0, 1, 1, 1], [], []>, transpose_lhs_hint = false} : vector<8x64xf32>, vector<8x2048xf32>, vector<64x2048xf32> -> vector<64x2048xf32>
    %logistic3A = arith.negf %dot_general3A_6 : vector<64x2048xf32>
    %logistic3A_7 = math.exp %logistic3A : vector<64x2048xf32>
    %logistic3A_8 = arith.constant 1.000000e+00 : f32
    %logistic3A_9 = vector.broadcast %logistic3A_8 : f32 to vector<64x2048xf32>
    %logistic3A_10 = arith.addf %logistic3A_9, %logistic3A_7 : vector<64x2048xf32>
    %logistic3A_11 = arith.divf %logistic3A_9, %logistic3A_10 : vector<64x2048xf32>
    %mul3A = arith.mulf %dot_general3A_6, %logistic3A_11 : vector<64x2048xf32>
    %get3A_12 = arith.constant 0 : index
    %get3A_13 = arith.constant 0 : index
    %get3A_14 = vector.load %arg4[%get3A_12, %get3A_13] : memref<64x64xf32, #tpu.memory_space<vmem>>, vector<64x64xf32>
    %convert_element_type3A = arith.truncf %get3A_14 : vector<64x64xf32> to vector<64x64xbf16>
    %convert_element_type3A_15 = arith.truncf %mul3A : vector<64x2048xf32> to vector<64x2048xbf16>
    %dot_general3A_16 = arith.constant dense<0.000000e+00> : vector<64x2048xf32>
    %dot_general3A_17 = tpu.matmul %convert_element_type3A, %convert_element_type3A_15, %dot_general3A_16 {dimension_numbers = #tpu.dot_dimension_numbers<[0], [0], [1], [1], [0, 1, 1, 1], [], []>, transpose_lhs_hint = false} : vector<64x64xbf16>, vector<64x2048xbf16>, vector<64x2048xf32> -> vector<64x2048xf32>
    %logistic3A_18 = arith.negf %dot_general3A_17 : vector<64x2048xf32>
    %logistic3A_19 = math.exp %logistic3A_18 : vector<64x2048xf32>
    %logistic3A_20 = arith.constant 1.000000e+00 : f32
    %logistic3A_21 = vector.broadcast %logistic3A_20 : f32 to vector<64x2048xf32>
    %logistic3A_22 = arith.addf %logistic3A_21, %logistic3A_19 : vector<64x2048xf32>
    %logistic3A_23 = arith.divf %logistic3A_21, %logistic3A_22 : vector<64x2048xf32>
    %mul3A_24 = arith.mulf %dot_general3A_17, %logistic3A_23 : vector<64x2048xf32>
    %get3A_25 = arith.constant 0 : index
    %get3A_26 = arith.constant 0 : index
    %get3A_27 = vector.load %arg5[%get3A_25, %get3A_26] : memref<64x64xf32, #tpu.memory_space<vmem>>, vector<64x64xf32>
    %convert_element_type3A_28 = arith.truncf %get3A_27 : vector<64x64xf32> to vector<64x64xbf16>
    %convert_element_type3A_29 = arith.truncf %mul3A_24 : vector<64x2048xf32> to vector<64x2048xbf16>
    %dot_general3A_30 = arith.constant dense<0.000000e+00> : vector<64x2048xf32>
    %dot_general3A_31 = tpu.matmul %convert_element_type3A_28, %convert_element_type3A_29, %dot_general3A_30 {dimension_numbers = #tpu.dot_dimension_numbers<[0], [0], [1], [1], [0, 1, 1, 1], [], []>, transpose_lhs_hint = false} : vector<64x64xbf16>, vector<64x2048xbf16>, vector<64x2048xf32> -> vector<64x2048xf32>
    %logistic3A_32 = arith.negf %dot_general3A_31 : vector<64x2048xf32>
    %logistic3A_33 = math.exp %logistic3A_32 : vector<64x2048xf32>
    %logistic3A_34 = arith.constant 1.000000e+00 : f32
    %logistic3A_35 = vector.broadcast %logistic3A_34 : f32 to vector<64x2048xf32>
    %logistic3A_36 = arith.addf %logistic3A_35, %logistic3A_33 : vector<64x2048xf32>
    %logistic3A_37 = arith.divf %logistic3A_35, %logistic3A_36 : vector<64x2048xf32>
    %mul3A_38 = arith.mulf %dot_general3A_31, %logistic3A_37 : vector<64x2048xf32>
    %get3A_39 = arith.constant 0 : index
    %get3A_40 = arith.constant 0 : index
    %get3A_41 = vector.load %arg2[%get3A_39, %get3A_40] : memref<1x2048xf32, #tpu.memory_space<vmem>>, vector<1x2048xf32>
    %mul3A_42 = vector.broadcast %get3A_41 : vector<1x2048xf32> to vector<64x2048xf32>
    %mul3A_43 = arith.mulf %mul3A_38, %mul3A_42 : vector<64x2048xf32>
    %convert_element_type3A_44 = arith.truncf %mul3A_43 : vector<64x2048xf32> to vector<64x2048xbf16>
    %get3A_45 = arith.constant 0 : index
    %get3A_46 = arith.constant 0 : index
    %get3A_47 = vector.load %arg6[%get3A_45, %get3A_46] : memref<64x128xf32, #tpu.memory_space<vmem>>, vector<64x128xf32>
    %convert_element_type3A_48 = arith.truncf %get3A_47 : vector<64x128xf32> to vector<64x128xbf16>
    %dot_general3A_49 = arith.constant dense<0.000000e+00> : vector<2048x128xf32>
    %dot_general3A_50 = tpu.matmul %convert_element_type3A_44, %convert_element_type3A_48, %dot_general3A_49 {dimension_numbers = #tpu.dot_dimension_numbers<[0], [0], [1], [1], [0, 1, 1, 1], [], []>, transpose_lhs_hint = false} : vector<64x2048xbf16>, vector<64x128xbf16>, vector<2048x128xf32> -> vector<2048x128xf32>
    %mul3A_51 = arith.constant 2048 : i32
    %mul3A_52 = arith.muli %add3A_0, %mul3A_51 : i32
    %iota3A = tpu.iota {dimensions = array<i32: 0>} : vector<2048x1xi32>
    %add3A_53 = vector.broadcast %mul3A_52 : i32 to vector<2048x1xi32>
    %add3A_54 = arith.addi %add3A_53, %iota3A : vector<2048x1xi32>
    %lt3A = arith.constant 320000 : i32
    %lt3A_55 = vector.broadcast %lt3A : i32 to vector<2048x1xi32>
    %lt3A_56 = arith.cmpi slt, %add3A_54, %lt3A_55 : vector<2048x1xi32>
    %jit3A = arith.constant 0.000000e+00 : f32
    %broadcast_in_dim3A = vector.shape_cast %lt3A_56 : vector<2048x1xi1> to vector<2048x1xi1>
    %broadcast_in_dim3A_57 = vector.broadcast %broadcast_in_dim3A : vector<2048x1xi1> to vector<2048x128xi1>
    %broadcast_in_dim3A_58 = vector.broadcast %jit3A : f32 to vector<2048x128xf32>
    %select_n3A = arith.select %broadcast_in_dim3A_57, %dot_general3A_50, %broadcast_in_dim3A_58 : vector<2048x128xi1>, vector<2048x128xf32>
    %swap3A = arith.constant 0 : index
    %swap3A_59 = arith.constant 0 : index
    %swap3A_60 = vector.load %arg7[%swap3A, %swap3A_59] : memref<2048x128xf32, #tpu.memory_space<vmem>>, vector<2048x128xf32>
    tpu.vector_store %arg7[%swap3A, %swap3A_59], %select_n3A {strides = array<i32>} : memref<2048x128xf32, #tpu.memory_space<vmem>>, vector<2048x128xf32>,
    return
  }
  func.func @transform_0(%arg0: i32) -> (i32, i32) {
    %add3A = arith.constant 80 : i32
    %add3A_0 = arith.addi %arg0, %add3A : i32
    %min3A = arith.constant 156 : i32
    %min3A_1 = arith.minsi %add3A_0, %min3A : i32
    %c0_i32 = arith.constant 0 : i32
    %c0_i32_2 = arith.constant 0 : i32
    return %c0_i32, %min3A_1 : i32, i32
  }
  func.func @transform_1(%arg0: i32) -> (i32, i32) {
    %add3A = arith.constant 80 : i32
    %add3A_0 = arith.addi %arg0, %add3A : i32
    %min3A = arith.constant 156 : i32
    %min3A_1 = arith.minsi %add3A_0, %min3A : i32
    %c0_i32 = arith.constant 0 : i32
    %c0_i32_2 = arith.constant 0 : i32
    return %c0_i32, %min3A_1 : i32, i32
  }
  func.func @transform_2(%arg0: i32) -> (i32, i32) {
    %c0_i32 = arith.constant 0 : i32
    %c0_i32_0 = arith.constant 0 : i32
    %c0_i32_1 = arith.constant 0 : i32
    return %c0_i32, %c0_i32_0 : i32, i32
  }
  func.func @transform_3(%arg0: i32) -> (i32, i32) {
    %c0_i32 = arith.constant 0 : i32
    %c0_i32_0 = arith.constant 0 : i32
    %c0_i32_1 = arith.constant 0 : i32
    return %c0_i32, %c0_i32_0 : i32, i32
  }
  func.func @transform_4(%arg0: i32) -> (i32, i32) {
    %c0_i32 = arith.constant 0 : i32
    %c0_i32_0 = arith.constant 0 : i32
    %c0_i32_1 = arith.constant 0 : i32
    return %c0_i32, %c0_i32_0 : i32, i32
  }
  func.func @transform_5(%arg0: i32) -> (i32, i32) {
    %c0_i32 = arith.constant 0 : i32
    %c0_i32_0 = arith.constant 0 : i32
    %c0_i32_1 = arith.constant 0 : i32
    return %c0_i32, %c0_i32_0 : i32, i32
  }
  func.func @transform_6(%arg0: i32) -> (i32, i32) {
    %c0_i32 = arith.constant 0 : i32
    %c0_i32_0 = arith.constant 0 : i32
    return %arg0, %c0_i32 : i32, i32
  }
}

module attributes {stable_mosaic.version = 14 : i64} {
  func.func @_edge_body(%arg0: i32, %arg1: memref<8x2048xf32, #tpu.memory_space<vmem>>, %arg2: memref<1x2048xf32, #tpu.memory_space<vmem>>, %arg3: memref<8x64xf32, #tpu.memory_space<vmem>>, %arg4: memref<64x64xf32, #tpu.memory_space<vmem>>, %arg5: memref<64x64xf32, #tpu.memory_space<vmem>>, %arg6: memref<64x128xf32, #tpu.memory_space<vmem>>, %arg7: memref<2048x128xf32, #tpu.memory_space<vmem>>) attributes {dimension_semantics = [#tpu.dimension_semantics<arbitrary>], iteration_bounds = array<i64: 80>, scalar_prefetch = 0 : i64, scratch_operands = 0 : i64, tpu.core_type = #tpu.core_type<tc>, window_params = [{transform_indices = @transform_0, window_bounds = array<i64: 8, 2048>}, {transform_indices = @transform_1, window_bounds = array<i64: 1, 2048>}, {pipeline_mode = #tpu.pipeline_mode<synchronous>, transform_indices = @transform_2, window_bounds = array<i64: 8, 64>}, {pipeline_mode = #tpu.pipeline_mode<synchronous>, transform_indices = @transform_3, window_bounds = array<i64: 64, 64>}, {pipeline_mode = #tpu.pipeline_mode<synchronous>, transform_indices = @transform_4, window_bounds = array<i64: 64, 64>}, {pipeline_mode = #tpu.pipeline_mode<synchronous>, transform_indices = @transform_5, window_bounds = array<i64: 64, 128>}, {transform_indices = @transform_6, window_bounds = array<i64: 2048, 128>}]} {
    %add3A = arith.constant 0 : i32
    %add3A_0 = arith.addi %arg0, %add3A : i32
    %get3A = arith.constant 0 : index
    %get3A_1 = arith.constant 0 : index
    %get3A_2 = vector.load %arg3[%get3A, %get3A_1] : memref<8x64xf32, #tpu.memory_space<vmem>>, vector<8x64xf32>
    %get3A_3 = arith.constant 0 : index
    %get3A_4 = arith.constant 0 : index
    %get3A_5 = vector.load %arg1[%get3A_3, %get3A_4] : memref<8x2048xf32, #tpu.memory_space<vmem>>, vector<8x2048xf32>
    %dot_general3A = arith.constant dense<0.000000e+00> : vector<64x2048xf32>
    %dot_general3A_6 = tpu.matmul %get3A_2, %get3A_5, %dot_general3A {dimension_numbers = #tpu.dot_dimension_numbers<[0], [0], [1], [1], [0, 1, 1, 1], [], []>, transpose_lhs_hint = false} : vector<8x64xf32>, vector<8x2048xf32>, vector<64x2048xf32> -> vector<64x2048xf32>
    %logistic3A = arith.negf %dot_general3A_6 : vector<64x2048xf32>
    %logistic3A_7 = math.exp %logistic3A : vector<64x2048xf32>
    %logistic3A_8 = arith.constant 1.000000e+00 : f32
    %logistic3A_9 = vector.broadcast %logistic3A_8 : f32 to vector<64x2048xf32>
    %logistic3A_10 = arith.addf %logistic3A_9, %logistic3A_7 : vector<64x2048xf32>
    %logistic3A_11 = arith.divf %logistic3A_9, %logistic3A_10 : vector<64x2048xf32>
    %mul3A = arith.mulf %dot_general3A_6, %logistic3A_11 : vector<64x2048xf32>
    %get3A_12 = arith.constant 0 : index
    %get3A_13 = arith.constant 0 : index
    %get3A_14 = vector.load %arg4[%get3A_12, %get3A_13] : memref<64x64xf32, #tpu.memory_space<vmem>>, vector<64x64xf32>
    %convert_element_type3A = arith.truncf %get3A_14 : vector<64x64xf32> to vector<64x64xbf16>
    %convert_element_type3A_15 = arith.truncf %mul3A : vector<64x2048xf32> to vector<64x2048xbf16>
    %dot_general3A_16 = arith.constant dense<0.000000e+00> : vector<64x2048xf32>
    %dot_general3A_17 = tpu.matmul %convert_element_type3A, %convert_element_type3A_15, %dot_general3A_16 {dimension_numbers = #tpu.dot_dimension_numbers<[0], [0], [1], [1], [0, 1, 1, 1], [], []>, transpose_lhs_hint = false} : vector<64x64xbf16>, vector<64x2048xbf16>, vector<64x2048xf32> -> vector<64x2048xf32>
    %logistic3A_18 = arith.negf %dot_general3A_17 : vector<64x2048xf32>
    %logistic3A_19 = math.exp %logistic3A_18 : vector<64x2048xf32>
    %logistic3A_20 = arith.constant 1.000000e+00 : f32
    %logistic3A_21 = vector.broadcast %logistic3A_20 : f32 to vector<64x2048xf32>
    %logistic3A_22 = arith.addf %logistic3A_21, %logistic3A_19 : vector<64x2048xf32>
    %logistic3A_23 = arith.divf %logistic3A_21, %logistic3A_22 : vector<64x2048xf32>
    %mul3A_24 = arith.mulf %dot_general3A_17, %logistic3A_23 : vector<64x2048xf32>
    %get3A_25 = arith.constant 0 : index
    %get3A_26 = arith.constant 0 : index
    %get3A_27 = vector.load %arg5[%get3A_25, %get3A_26] : memref<64x64xf32, #tpu.memory_space<vmem>>, vector<64x64xf32>
    %convert_element_type3A_28 = arith.truncf %get3A_27 : vector<64x64xf32> to vector<64x64xbf16>
    %convert_element_type3A_29 = arith.truncf %mul3A_24 : vector<64x2048xf32> to vector<64x2048xbf16>
    %dot_general3A_30 = arith.constant dense<0.000000e+00> : vector<64x2048xf32>
    %dot_general3A_31 = tpu.matmul %convert_element_type3A_28, %convert_element_type3A_29, %dot_general3A_30 {dimension_numbers = #tpu.dot_dimension_numbers<[0], [0], [1], [1], [0, 1, 1, 1], [], []>, transpose_lhs_hint = false} : vector<64x64xbf16>, vector<64x2048xbf16>, vector<64x2048xf32> -> vector<64x2048xf32>
    %logistic3A_32 = arith.negf %dot_general3A_31 : vector<64x2048xf32>
    %logistic3A_33 = math.exp %logistic3A_32 : vector<64x2048xf32>
    %logistic3A_34 = arith.constant 1.000000e+00 : f32
    %logistic3A_35 = vector.broadcast %logistic3A_34 : f32 to vector<64x2048xf32>
    %logistic3A_36 = arith.addf %logistic3A_35, %logistic3A_33 : vector<64x2048xf32>
    %logistic3A_37 = arith.divf %logistic3A_35, %logistic3A_36 : vector<64x2048xf32>
    %mul3A_38 = arith.mulf %dot_general3A_31, %logistic3A_37 : vector<64x2048xf32>
    %get3A_39 = arith.constant 0 : index
    %get3A_40 = arith.constant 0 : index
    %get3A_41 = vector.load %arg2[%get3A_39, %get3A_40] : memref<1x2048xf32, #tpu.memory_space<vmem>>, vector<1x2048xf32>
    %mul3A_42 = vector.broadcast %get3A_41 : vector<1x2048xf32> to vector<64x2048xf32>
    %mul3A_43 = arith.mulf %mul3A_38, %mul3A_42 : vector<64x2048xf32>
    %convert_element_type3A_44 = arith.truncf %mul3A_43 : vector<64x2048xf32> to vector<64x2048xbf16>
    %get3A_45 = arith.constant 0 : index
    %get3A_46 = arith.constant 0 : index
    %get3A_47 = vector.load %arg6[%get3A_45, %get3A_46] : memref<64x128xf32, #tpu.memory_space<vmem>>, vector<64x128xf32>
    %convert_element_type3A_48 = arith.truncf %get3A_47 : vector<64x128xf32> to vector<64x128xbf16>
    %dot_general3A_49 = arith.constant dense<0.000000e+00> : vector<2048x128xf32>
    %dot_general3A_50 = tpu.matmul %convert_element_type3A_44, %convert_element_type3A_48, %dot_general3A_49 {dimension_numbers = #tpu.dot_dimension_numbers<[0], [0], [1], [1], [0, 1, 1, 1], [], []>, transpose_lhs_hint = false} : vector<64x2048xbf16>, vector<64x128xbf16>, vector<2048x128xf32> -> vector<2048x128xf32>
    %mul3A_51 = arith.constant 2048 : i32
    %mul3A_52 = arith.muli %add3A_0, %mul3A_51 : i32
    %iota3A = tpu.iota {dimensions = array<i32: 0>} : vector<2048x1xi32>
    %add3A_53 = vector.broadcast %mul3A_52 : i32 to vector<2048x1xi32>
    %add3A_54 = arith.addi %add3A_53, %iota3A : vector<2048x1xi32>
    %lt3A = arith.constant 320000 : i32
    %lt3A_55 = vector.broadcast %lt3A : i32 to vector<2048x1xi32>
    %lt3A_56 = arith.cmpi slt, %add3A_54, %lt3A_55 : vector<2048x1xi32>
    %jit3A = arith.constant 0.000000e+00 : f32
    %broadcast_in_dim3A = vector.shape_cast %lt3A_56 : vector<2048x1xi1> to vector<2048x1xi1>
    %broadcast_in_dim3A_57 = vector.broadcast %broadcast_in_dim3A : vector<2048x1xi1> to vector<2048x128xi1>
    %broadcast_in_dim3A_58 = vector.broadcast %jit3A : f32 to vector<2048x128xf32>
    %select_n3A = arith.select %broadcast_in_dim3A_57, %dot_general3A_50, %broadcast_in_dim3A_58 : vector<2048x128xi1>, vector<2048x128xf32>
    %swap3A = arith.constant 0 : index
    %swap3A_59 = arith.constant 0 : index
    %swap3A_60 = vector.load %arg7[%swap3A, %swap3A_59] : memref<2048x128xf32, #tpu.memory_space<vmem>>, vector<2048x128xf32>
    tpu.vector_store %arg7[%swap3A, %swap3A_59], %select_n3A {strides = array<i32>} : memref<2048x128xf32, #tpu.memory_space<vmem>>, vector<2048x128xf32>,
    return
  }
  func.func @transform_0(%arg0: i32) -> (i32, i32) {
    %add3A = arith.constant 0 : i32
    %add3A_0 = arith.addi %arg0, %add3A : i32
    %min3A = arith.constant 156 : i32
    %min3A_1 = arith.minsi %add3A_0, %min3A : i32
    %c0_i32 = arith.constant 0 : i32
    %c0_i32_2 = arith.constant 0 : i32
    return %c0_i32, %min3A_1 : i32, i32
  }
  func.func @transform_1(%arg0: i32) -> (i32, i32) {
    %add3A = arith.constant 0 : i32
    %add3A_0 = arith.addi %arg0, %add3A : i32
    %min3A = arith.constant 156 : i32
    %min3A_1 = arith.minsi %add3A_0, %min3A : i32
    %c0_i32 = arith.constant 0 : i32
    %c0_i32_2 = arith.constant 0 : i32
    return %c0_i32, %min3A_1 : i32, i32
  }
  func.func @transform_2(%arg0: i32) -> (i32, i32) {
    %c0_i32 = arith.constant 0 : i32
    %c0_i32_0 = arith.constant 0 : i32
    %c0_i32_1 = arith.constant 0 : i32
    return %c0_i32, %c0_i32_0 : i32, i32
  }
  func.func @transform_3(%arg0: i32) -> (i32, i32) {
    %c0_i32 = arith.constant 0 : i32
    %c0_i32_0 = arith.constant 0 : i32
    %c0_i32_1 = arith.constant 0 : i32
    return %c0_i32, %c0_i32_0 : i32, i32
  }
  func.func @transform_4(%arg0: i32) -> (i32, i32) {
    %c0_i32 = arith.constant 0 : i32
    %c0_i32_0 = arith.constant 0 : i32
    %c0_i32_1 = arith.constant 0 : i32
    return %c0_i32, %c0_i32_0 : i32, i32
  }
  func.func @transform_5(%arg0: i32) -> (i32, i32) {
    %c0_i32 = arith.constant 0 : i32
    %c0_i32_0 = arith.constant 0 : i32
    %c0_i32_1 = arith.constant 0 : i32
    return %c0_i32, %c0_i32_0 : i32, i32
  }
  func.func @transform_6(%arg0: i32) -> (i32, i32) {
    %c0_i32 = arith.constant 0 : i32
    %c0_i32_0 = arith.constant 0 : i32
    return %arg0, %c0_i32 : i32, i32
  }
}

module attributes {stable_mosaic.version = 14 : i64} {
  func.func @_node_body(%arg0: i32, %arg1: memref<1000x128xf32, #tpu.memory_space<vmem>>, %arg2: memref<1000x128xf32, #tpu.memory_space<vmem>>, %arg3: memref<1000x128xf32, #tpu.memory_space<vmem>>, %arg4: memref<1000x128xf32, #tpu.memory_space<vmem>>, %arg5: memref<1000x128xf32, #tpu.memory_space<vmem>>, %arg6: memref<1000x4xf32, #tpu.memory_space<vmem>>, %arg7: memref<128x128xf32, #tpu.memory_space<vmem>>, %arg8: memref<128x128xf32, #tpu.memory_space<vmem>>, %arg9: memref<512x128xf32, #tpu.memory_space<vmem>>, %arg10: memref<1000x128xf32, #tpu.memory_space<vmem>>) attributes {dimension_semantics = [#tpu.dimension_semantics<arbitrary>], iteration_bounds = array<i64: 10>, scalar_prefetch = 0 : i64, scratch_operands = 0 : i64, tpu.core_type = #tpu.core_type<tc>, window_params = [{transform_indices = @transform_0, window_bounds = array<i64: 1000, 128>}, {transform_indices = @transform_1, window_bounds = array<i64: 1000, 128>}, {transform_indices = @transform_2, window_bounds = array<i64: 1000, 128>}, {transform_indices = @transform_3, window_bounds = array<i64: 1000, 128>}, {transform_indices = @transform_4, window_bounds = array<i64: 1000, 128>}, {transform_indices = @transform_5, window_bounds = array<i64: 1000, 4>}, {pipeline_mode = #tpu.pipeline_mode<synchronous>, transform_indices = @transform_6, window_bounds = array<i64: 128, 128>}, {pipeline_mode = #tpu.pipeline_mode<synchronous>, transform_indices = @transform_7, window_bounds = array<i64: 128, 128>}, {pipeline_mode = #tpu.pipeline_mode<synchronous>, transform_indices = @transform_8, window_bounds = array<i64: 512, 128>}, {transform_indices = @transform_9, window_bounds = array<i64: 1000, 128>}]} {
    %get3A = arith.constant 0 : index
    %get3A_0 = arith.constant 0 : index
    %get3A_1 = vector.load %arg1[%get3A, %get3A_0] : memref<1000x128xf32, #tpu.memory_space<vmem>>, vector<1000x128xf32>
    %get3A_2 = arith.constant 0 : index
    %get3A_3 = arith.constant 0 : index
    %get3A_4 = vector.load %arg7[%get3A_2, %get3A_3] : memref<128x128xf32, #tpu.memory_space<vmem>>, vector<128x128xf32>
    %dot_general3A = arith.constant dense<0.000000e+00> : vector<1000x128xf32>
    %dot_general3A_5 = tpu.matmul %get3A_1, %get3A_4, %dot_general3A {dimension_numbers = #tpu.dot_dimension_numbers<[1], [0], [0], [1], [0, 0, 1, 1], [], []>, transpose_lhs_hint = false} : vector<1000x128xf32>, vector<128x128xf32>, vector<1000x128xf32> -> vector<1000x128xf32>
    %get3A_6 = arith.constant 0 : index
    %get3A_7 = arith.constant 0 : index
    %get3A_8 = vector.load %arg2[%get3A_6, %get3A_7] : memref<1000x128xf32, #tpu.memory_space<vmem>>, vector<1000x128xf32>
    %get3A_9 = arith.constant 0 : index
    %get3A_10 = arith.constant 0 : index
    %get3A_11 = vector.load %arg3[%get3A_9, %get3A_10] : memref<1000x128xf32, #tpu.memory_space<vmem>>, vector<1000x128xf32>
    %add3A = arith.addf %get3A_8, %get3A_11 : vector<1000x128xf32>
    %get3A_12 = arith.constant 0 : index
    %get3A_13 = arith.constant 0 : index
    %get3A_14 = vector.load %arg4[%get3A_12, %get3A_13] : memref<1000x128xf32, #tpu.memory_space<vmem>>, vector<1000x128xf32>
    %get3A_15 = arith.constant 0 : index
    %get3A_16 = arith.constant 0 : index
    %get3A_17 = vector.load %arg5[%get3A_15, %get3A_16] : memref<1000x128xf32, #tpu.memory_space<vmem>>, vector<1000x128xf32>
    %add3A_18 = arith.addf %get3A_14, %get3A_17 : vector<1000x128xf32>
    %add3A_19 = arith.addf %add3A, %add3A_18 : vector<1000x128xf32>
    %mul3A = arith.mulf %dot_general3A_5, %add3A_19 : vector<1000x128xf32>
    %get3A_20 = arith.constant 0 : index
    %get3A_21 = arith.constant 0 : index
    %get3A_22 = vector.load %arg8[%get3A_20, %get3A_21] : memref<128x128xf32, #tpu.memory_space<vmem>>, vector<128x128xf32>
    %dot_general3A_23 = arith.constant dense<0.000000e+00> : vector<1000x128xf32>
    %dot_general3A_24 = tpu.matmul %mul3A, %get3A_22, %dot_general3A_23 {dimension_numbers = #tpu.dot_dimension_numbers<[1], [0], [0], [1], [0, 0, 1, 1], [], []>, transpose_lhs_hint = false} : vector<1000x128xf32>, vector<128x128xf32>, vector<1000x128xf32> -> vector<1000x128xf32>
    %mul3A_25 = arith.constant 3.125000e-02 : f32
    %mul3A_26 = vector.broadcast %mul3A_25 : f32 to vector<1000x128xf32>
    %mul3A_27 = arith.mulf %dot_general3A_24, %mul3A_26 : vector<1000x128xf32>
    %get3A_28 = arith.constant 0 : index
    %get3A_29 = arith.constant 0 : index
    %get3A_30 = vector.load %arg6[%get3A_28, %get3A_29] : memref<1000x4xf32, #tpu.memory_space<vmem>>, vector<1000x4xf32>
    %slice3A = vector.extract_strided_slice %get3A_30 {offsets = [0, 0], sizes = [1000, 1], strides = [1, 1]} : vector<1000x4xf32> to vector<1000x1xf32>
    %get3A_31 = arith.constant 0 : index
    %get3A_32 = arith.constant 0 : index
    %get3A_33 = vector.load %arg9[%get3A_31, %get3A_32] : memref<512x128xf32, #tpu.memory_space<vmem>>, vector<128x128xf32>
    %dot_general3A_34 = arith.constant dense<0.000000e+00> : vector<1000x128xf32>
    %dot_general3A_35 = tpu.matmul %mul3A_27, %get3A_33, %dot_general3A_34 {dimension_numbers = #tpu.dot_dimension_numbers<[1], [0], [0], [1], [0, 0, 1, 1], [], []>, transpose_lhs_hint = false} : vector<1000x128xf32>, vector<128x128xf32>, vector<1000x128xf32> -> vector<1000x128xf32>
    %mul3A_36 = vector.broadcast %slice3A : vector<1000x1xf32> to vector<1000x128xf32>
    %mul3A_37 = arith.mulf %mul3A_36, %dot_general3A_35 : vector<1000x128xf32>
    %slice3A_38 = vector.extract_strided_slice %get3A_30 {offsets = [0, 1], sizes = [1000, 1], strides = [1, 1]} : vector<1000x4xf32> to vector<1000x1xf32>
    %get3A_39 = arith.constant 128 : index
    %get3A_40 = arith.constant 0 : index
    %get3A_41 = vector.load %arg9[%get3A_39, %get3A_40] : memref<512x128xf32, #tpu.memory_space<vmem>>, vector<128x128xf32>
    %dot_general3A_42 = arith.constant dense<0.000000e+00> : vector<1000x128xf32>
    %dot_general3A_43 = tpu.matmul %mul3A_27, %get3A_41, %dot_general3A_42 {dimension_numbers = #tpu.dot_dimension_numbers<[1], [0], [0], [1], [0, 0, 1, 1], [], []>, transpose_lhs_hint = false} : vector<1000x128xf32>, vector<128x128xf32>, vector<1000x128xf32> -> vector<1000x128xf32>
    %mul3A_44 = vector.broadcast %slice3A_38 : vector<1000x1xf32> to vector<1000x128xf32>
    %mul3A_45 = arith.mulf %mul3A_44, %dot_general3A_43 : vector<1000x128xf32>
    %add3A_46 = arith.addf %mul3A_37, %mul3A_45 : vector<1000x128xf32>
    %slice3A_47 = vector.extract_strided_slice %get3A_30 {offsets = [0, 2], sizes = [1000, 1], strides = [1, 1]} : vector<1000x4xf32> to vector<1000x1xf32>
    %get3A_48 = arith.constant 256 : index
    %get3A_49 = arith.constant 0 : index
    %get3A_50 = vector.load %arg9[%get3A_48, %get3A_49] : memref<512x128xf32, #tpu.memory_space<vmem>>, vector<128x128xf32>
    %dot_general3A_51 = arith.constant dense<0.000000e+00> : vector<1000x128xf32>
    %dot_general3A_52 = tpu.matmul %mul3A_27, %get3A_50, %dot_general3A_51 {dimension_numbers = #tpu.dot_dimension_numbers<[1], [0], [0], [1], [0, 0, 1, 1], [], []>, transpose_lhs_hint = false} : vector<1000x128xf32>, vector<128x128xf32>, vector<1000x128xf32> -> vector<1000x128xf32>
    %mul3A_53 = vector.broadcast %slice3A_47 : vector<1000x1xf32> to vector<1000x128xf32>
    %mul3A_54 = arith.mulf %mul3A_53, %dot_general3A_52 : vector<1000x128xf32>
    %add3A_55 = arith.addf %add3A_46, %mul3A_54 : vector<1000x128xf32>
    %slice3A_56 = vector.extract_strided_slice %get3A_30 {offsets = [0, 3], sizes = [1000, 1], strides = [1, 1]} : vector<1000x4xf32> to vector<1000x1xf32>
    %get3A_57 = arith.constant 384 : index
    %get3A_58 = arith.constant 0 : index
    %get3A_59 = vector.load %arg9[%get3A_57, %get3A_58] : memref<512x128xf32, #tpu.memory_space<vmem>>, vector<128x128xf32>
    %dot_general3A_60 = arith.constant dense<0.000000e+00> : vector<1000x128xf32>
    %dot_general3A_61 = tpu.matmul %mul3A_27, %get3A_59, %dot_general3A_60 {dimension_numbers = #tpu.dot_dimension_numbers<[1], [0], [0], [1], [0, 0, 1, 1], [], []>, transpose_lhs_hint = false} : vector<1000x128xf32>, vector<128x128xf32>, vector<1000x128xf32> -> vector<1000x128xf32>
    %mul3A_62 = vector.broadcast %slice3A_56 : vector<1000x1xf32> to vector<1000x128xf32>
    %mul3A_63 = arith.mulf %mul3A_62, %dot_general3A_61 : vector<1000x128xf32>
    %add3A_64 = arith.addf %add3A_55, %mul3A_63 : vector<1000x128xf32>
    %swap3A = arith.constant 0 : index
    %swap3A_65 = arith.constant 0 : index
    %swap3A_66 = vector.load %arg10[%swap3A, %swap3A_65] : memref<1000x128xf32, #tpu.memory_space<vmem>>, vector<1000x128xf32>
    tpu.vector_store %arg10[%swap3A, %swap3A_65], %add3A_64 {strides = array<i32>} : memref<1000x128xf32, #tpu.memory_space<vmem>>, vector<1000x128xf32>,
    return
  }
  func.func @transform_0(%arg0: i32) -> (i32, i32) {
    %c0_i32 = arith.constant 0 : i32
    %c0_i32_0 = arith.constant 0 : i32
    return %arg0, %c0_i32 : i32, i32
  }
  func.func @transform_1(%arg0: i32) -> (i32, i32) {
    %c0_i32 = arith.constant 0 : i32
    %c0_i32_0 = arith.constant 0 : i32
    return %arg0, %c0_i32 : i32, i32
  }
  func.func @transform_2(%arg0: i32) -> (i32, i32) {
    %c0_i32 = arith.constant 0 : i32
    %c0_i32_0 = arith.constant 0 : i32
    return %arg0, %c0_i32 : i32, i32
  }
  func.func @transform_3(%arg0: i32) -> (i32, i32) {
    %c0_i32 = arith.constant 0 : i32
    %c0_i32_0 = arith.constant 0 : i32
    return %arg0, %c0_i32 : i32, i32
  }
  func.func @transform_4(%arg0: i32) -> (i32, i32) {
    %c0_i32 = arith.constant 0 : i32
    %c0_i32_0 = arith.constant 0 : i32
    return %arg0, %c0_i32 : i32, i32
  }
  func.func @transform_5(%arg0: i32) -> (i32, i32) {
    %c0_i32 = arith.constant 0 : i32
    %c0_i32_0 = arith.constant 0 : i32
    return %arg0, %c0_i32 : i32, i32
  }
  func.func @transform_6(%arg0: i32) -> (i32, i32) {
    %c0_i32 = arith.constant 0 : i32
    %c0_i32_0 = arith.constant 0 : i32
    %c0_i32_1 = arith.constant 0 : i32
    return %c0_i32, %c0_i32_0 : i32, i32
  }
  func.func @transform_7(%arg0: i32) -> (i32, i32) {
    %c0_i32 = arith.constant 0 : i32
    %c0_i32_0 = arith.constant 0 : i32
    %c0_i32_1 = arith.constant 0 : i32
    return %c0_i32, %c0_i32_0 : i32, i32
  }
  func.func @transform_8(%arg0: i32) -> (i32, i32) {
    %c0_i32 = arith.constant 0 : i32
    %c0_i32_0 = arith.constant 0 : i32
    %c0_i32_1 = arith.constant 0 : i32
    return %c0_i32, %c0_i32_0 : i32, i32
  }
  func.func @transform_9(%arg0: i32) -> (i32, i32) {
    %c0_i32 = arith.constant 0 : i32
    %c0_i32_0 = arith.constant 0 : i32
    return %arg0, %c0_i32 : i32, i32
  }
}

</mosaic_0001>

<sc_bundles>
// kernel: kernel.10.cloned.1.call-start
scs
__scs_entry_jumppad:
0x0: {  	(pc) =	sbr.rel $0x88, $3  }
0x1: {  	(tag) =	ssettag $0x0;
	lr =	simm.s32 $0x1  }
0x2: {  	[smem:$0x3F95] =	sst lr;
	_ =	strace $0xD0000000  }
0x3: {  	_ = 	snop  }
0x4: {  	_ = 	snop  }
0x5: {  	_ = 	snop  }
0x6: {  	_ = 	snop  }
0x7: {  	_ = 	snop  }
__scs_overlays_trampoline_lowered:
0x8: {  	[smem:$0x3FA4] =	sst s0  }
0x9: {  	[smem:$0x3FA5] =	sst s1  }
0xa: {  	[smem:$0x3FA6] =	sst s2  }
0xb: {  	[smem:$0x3FA7] =	sst s3  }
0xc: {  	[smem:$0x3FA8] =	sst s4  }
0xd: {  	[smem:$0x3FA9] =	sst s5  }
0xe: {  	[smem:$0x3FAA] =	sst s6  }
0xf: {  	[smem:$0x3FAB] =	sst s7  }
0x10: {  	[smem:$0x3FAC] =	sst s8  }
0x11: {  	[smem:$0x3FAD] =	sst s9;
	s0 =	simm.s32 @!p0 $0x0  }
0x12: {  	s1 =	sld [smem:$0x3F93];
	s0 =	simm.s32 @p0 $0x1  }
0x13: {  	[smem:$0x3FAE] =	sst s0;
	s0 =	simm.s32 @!p1 $0x0  }
0x14: {  	s2 =	sld [smem:$0x3F92];
	s0 =	simm.s32 @p1 $0x1  }
0x15: {  	[smem:$0x3FAF] =	sst s0;
	s0 =	simm.s32 @!p2 $0x0  }
0x16: {  	s3 =	sld [smem:$0x3FDB];
	s0 =	simm.s32 @p2 $0x1  }
0x17: {  	s4 =	simm.s32 $0x1BF5;
	[smem:$0x3FB1] =	sst s0  }
0x18: {  	s0 =	sld [smem:$0x3F94];
	_ =	swait.ge [sflag:s4], $0x0  }
0x19: {  	s7 =	sld [smem:$0x3F95]  }
0x1a: {  	s8 =	sadd.s32 $0xFFFFE003, lr  }
0x1b: {  	s9 =	sadd.s32 $0xFFFFFEF7, lr;
	s5 =	simm.s32 $0xFFFFFFFF;
	p2 =	slt.u32 s8, $0xFFFFF086  }
0x1c: {  	p1 =	slt.u32 s9, $0xF7A;
	s5 =	simm.s32 @!p2 $0x0  }
0x1d: {  	s5 =	simm.s32 @p1 $0x1;
	p0 =	seq.s32 s7, s2  }
0x1e: {  	s7 =	smul.u32 @!p0 $0xF7A, s2;
	p2 =	seq.s32 @!p0 s5, $0x0  }
0x1f: {  	s9 =	smul.u32 $0xF7A, s1;
	s8 =	simm.s32 @!p0 $0x1BF5;
	p2 =	por !p2, p0  }
0x20: {  	[sflag:s8] =	ssyncset.s32 @!p0 $0xFFFFF086;
	s6 =	sadd.s32 @!p0 s3, s7;
	s7 =	simm.s32 @!p0 $0x108  }
0x21: {  	s3 =	sadd.s32 s3, s9;
	s6 =	sadd.s32 @!p0 $0x88, s6;
	s7 =	simm.s32 @p2 $0x1082  }
0x22: {  	[simem:s7], [sflag:s8] =	dma.local @!p0 [hbm:s6], $0xF7A  }
0x23: {  	s9 =	sor.u32 $0xD0000000, s2;
	s6 =	simm.s32 $0x108;
	_ =	swait.ge @!p0 [sflag:s8], $0x0  }
0x24: {  	s3 =	sadd.s32 $0x88, s3;
	s6 =	simm.s32 @!p1 $0x1082;
	[sflag:s4] =	ssyncset.s32 $0xFFFFF086  }
0x25: {  	[simem:s6], [sflag:s4] =	dma.local [hbm:s3], $0xF7A  }
0x26: {  	[smem:$0x3F95] =	sst s1;
	(tag) =	ssettag s2;
	_ =	strace s9  }
0x27: {  	s1 =	sld [smem:$0x3FA5]  }
0x28: {  	s2 =	sld [smem:$0x3FA6]  }
0x29: {  	s4 =	sld [smem:$0x3FA8]  }
0x2a: {  	p0 =	seq.s32 s5, $0x0;
	s5 =	sld [smem:$0x3FA9]  }
0x2b: {  	s6 =	sld [smem:$0x3FAA]  }
0x2c: {  	s7 =	sld [smem:$0x3FAB]  }
0x2d: {  	s3 =	simm.s32 $0x108;
	s8 =	sld [smem:$0x3FAC]  }
0x2e: {  	s3 =	simm.s32 @!p0 $0x1082;
	s9 =	sld [smem:$0x3FAD]  }
0x2f: {  	lr =	sadd.s32 s0, s3;
	s0 =	sld [smem:$0x3FA4]  }
0x30: {  	s3 =	sld [smem:$0x3FA7]  }
0x31: {  	[smem:$0x3FB0] =	sst s10  }
0x32: {  	s10 =	sld [smem:$0x3FAE];
	_ =	sdelay $0x3  }
0x33: {  	p0 =	seq.s32 s10, $0x1;
	s10 =	sld [smem:$0x3FB0];
	_ =	sdelay $0x3  }
0x34: {  	[smem:$0x3FB0] =	sst s10  }
0x35: {  	s10 =	sld [smem:$0x3FAF];
	_ =	sdelay $0x3  }
0x36: {  	p1 =	seq.s32 s10, $0x1;
	s10 =	sld [smem:$0x3FB0];
	_ =	sdelay $0x3  }
0x37: {  	[smem:$0x3FB0] =	sst s10  }
0x38: {  	s10 =	sld [smem:$0x3FB1]  }
0x39: {  	_ = 	snop;
	(pc) =	sbr.ind lr, $3  }
0x3a: {  	_ = 	snop  }
0x3b: {  	_ = 	snop  }
0x3c: {  	p2 =	seq.s32 s10, $0x1;
	s10 =	sld [smem:$0x3FB0]  }
0x3d: {  	_ =	shalt  }
0x3e: {  	_ =	shalt  }
0x3f: {  	_ =	shalt  }
0x40: {  	_ =	shalt  }
0x41: {  	_ =	shalt  }
0x42: {  	_ =	shalt  }
0x43: {  	_ =	shalt  }
0x44: {  	_ =	shalt  }
0x45: {  	_ =	shalt  }
0x46: {  	_ =	shalt  }
0x47: {  	_ =	shalt  }
0x48: {  	_ =	shalt  }
0x49: {  	_ =	shalt  }
0x4a: {  	_ =	shalt  }
0x4b: {  	_ =	shalt  }
0x4c: {  	_ =	shalt  }
0x4d: {  	_ =	shalt  }
0x4e: {  	_ =	shalt  }
0x4f: {  	_ =	shalt  }
0x50: {  	_ =	shalt  }
0x51: {  	_ =	shalt  }
0x52: {  	_ =	shalt  }
0x53: {  	_ =	shalt  }
0x54: {  	_ =	shalt  }
0x55: {  	_ =	shalt  }
0x56: {  	_ =	shalt  }
0x57: {  	_ =	shalt  }
0x58: {  	_ =	shalt  }
0x59: {  	_ =	shalt  }
0x5a: {  	_ =	shalt  }
0x5b: {  	_ =	shalt  }
0x5c: {  	_ =	shalt  }
0x5d: {  	_ =	shalt  }
0x5e: {  	_ =	shalt  }
0x5f: {  	_ =	shalt  }
0x60: {  	_ =	shalt  }
0x61: {  	_ =	shalt  }
0x62: {  	_ =	shalt  }
0x63: {  	_ =	shalt  }
0x64: {  	_ =	shalt  }
0x65: {  	_ =	shalt  }
0x66: {  	_ =	shalt  }
0x67: {  	_ =	shalt  }
0x68: {  	_ =	shalt  }
0x69: {  	_ =	shalt  }
0x6a: {  	_ =	shalt  }
0x6b: {  	_ =	shalt  }
0x6c: {  	_ =	shalt  }
0x6d: {  	_ =	shalt  }
0x6e: {  	_ =	shalt  }
0x6f: {  	_ =	shalt  }
0x70: {  	_ =	shalt  }
0x71: {  	_ =	shalt  }
0x72: {  	_ =	shalt  }
0x73: {  	_ =	shalt  }
0x74: {  	_ =	shalt  }
0x75: {  	_ =	shalt  }
0x76: {  	_ =	shalt  }
0x77: {  	_ =	shalt  }
0x78: {  	_ =	shalt  }
0x79: {  	_ =	shalt  }
0x7a: {  	_ =	shalt  }
0x7b: {  	_ =	shalt  }
0x7c: {  	_ =	shalt  }
0x7d: {  	_ =	shalt  }
0x7e: {  	_ =	shalt  }
0x7f: {  	_ =	shalt  }
0x80: {  	_ =	shalt  }
0x81: {  	_ =	shalt  }
0x82: {  	_ =	shalt  }
0x83: {  	_ =	shalt  }
0x84: {  	_ =	shalt  }
0x85: {  	_ =	shalt  }
0x86: {  	_ =	shalt  }
0x87: {  	_ =	shalt  }
.Lfunc_end0:
.L_simem_size_0:
called_computation.1_lowered:
.L_overlay_start_0:
0x88: {  	s2 =	sld [smem:$0x3FD9]  }
0x89: {  	s3 =	sld [smem:$0x3FFE];
	_ =	sdelay $0x1  }
0x8a: {  	s1 =	srdreg.scid  }
0x8b: {  	s0 =	sand.u32 $0x1, s1  }
0x8c: {  	s17 =	sshll.u32 s0, $0xA;
	s2 =	sadd.s32 s3, s2  }
0x8d: {  	s2 =	sadd.s32 s2, s17  }
0x8e: {  	[smem:$0x3FBC] =	sst s2  }
0x8f: {  	_ = 	snop  }
0x90: {  	s2 =	sld [smem:$0x3FD0];
	(tm) =	ssettm $0x1  }
0x91: {  	s18 =	sld [smem:$0x3FFB];
	_ =	sdelay $0x3  }
0x92: {  	_ =	strace s18  }
0x93: {  	s3 =	sld [smem:$0x3FFC];
	_ =	sdelay $0x3  }
0x94: {  	_ =	strace s3  }
0x95: {  	s3 =	sld [smem:$0x3FFD];
	_ =	sdelay $0x3  }
0x96: {  	_ =	strace s3  }
0x97: {  	_ =	strace $0x8FFFFFFF  }
0x98: {  	s19 =	sld [smem:$0x3FDB];
	_ =	sdelay $0x1  }
0x99: {  	s4 =	simm.s32 $_scs_section_size  }
0x9a: {  	s5 =	simm.s32 $_size__tile_overlayer_lowered;
	s6 =	simm.s32 $_tile_overlayer_lowered  }
0x9b: {  	s22 =	simm.s32 $0x1BFF;
	s21 =	sshll.u32 s6, $0x1;
	s3 =	sadd.s32 s4, s19  }
0x9c: {  	s7 =	simm.s32 $0x0;
	s20 =	sshll.u32 s5, $0x1;
	s5 =	sadd.s32 s21, s3  }
0x9d: {  	[timem:s7], [sflag:s22] =	dma.local [hbm:s5], s20  }
0x9e: {  	_ =	swait.ge [sflag:s22], s20  }
0x9f: {  	s4 =	ssub.s32 $0x0, s20;
	[sflag:s22] =	ssyncset.done $0x0  }
0xa0: {  	[sflag:s22] =	ssyncadd.s32 s4;
	_ =	sdelay $0x1  }
0xa1: {  	s23 =	simm.s32 $0x1B8B  }
0xa2: {  	_ =	swait.ge [sflag:s23], $0x1  }
0xa3: {  	[sflag:s23] =	ssyncset.done $0x0  }
0xa4: {  	s25 =	simm.s32 $0x1B8E;
	s24 =	sld [smem:$0x3FFE];
	[sflag:s23] =	ssyncadd.s32 $0xFFFFFFFF  }
0xa5: {  	s26 =	simm.s32 $execute0_lowered;
	[smem:$0x3FD2] =	sst s25  }
0xa6: {  	s5 =	sshll.u32 s26, $0x1;
	_ =	strace $0x80000046;
	[dreg:$0x1] =	wrdreg $0xFFFFFFFF  }
0xa7: {  	s28 =	simm.s32 $_size_execute0_lowered;
	s3 =	sadd.s32 s3, s5;
	[dreg:$0x0] =	wrdreg $0x0  }
0xa8: {  	s5 =	sshll.u32 s28, $0x1;
	[dreg:$0x2] =	wrdreg s3  }
0xa9: {  	[dreg:$0x3] =	wrdreg s5  }
0xaa: {  	[dreg:$0x4] =	wrdreg $0xC0  }
0xab: {  	_ =	task [dreg:s7], $0x5FFFF  }
0xac: {  	[dreg:$0x1] =	wrdreg $0xFFFFFFFF  }
0xad: {  	[dreg:$0x0] =	wrdreg $0x60  }
0xae: {  	[dreg:$0x2] =	wrdreg s24  }
0xaf: {  	[dreg:$0x3] =	wrdreg s2  }
0xb0: {  	[dreg:$0x4] =	wrdreg $0x0  }
0xb1: {  	[dreg:$0x5] =	wrdreg $0xA  }
0xb2: {  	_ =	task.clear_ibuf [dreg:s7], $0x6FFFF;
	_ =	strace $0x90000046  }
0xb3: {  	s29 =	simm.s32 $0xA;
	_ =	strace $0x80000048  }
0xb4: {  	_ =	swait.ge [sflag:s29], $0x1  }
0xb5: {  	[sflag:s29] =	ssyncadd.s32 $0xFFFFFFFF  }
0xb6: {  	_ =	strace $0x90000048  }
0xb7: {  	_ =	sfence  }
0xb8: {  	s30 =	sld [smem:$0x0];
	_ =	sdelay $0x2  }
0xb9: {  	s31 =	sshll.u32 s1, $0xD;
	s1 =	sshrl.u32 s1, $0x2  }
0xba: {  	s3 =	sand.u32 $0x4000, s31;
	s1 =	sadd.s32 s1, s30  }
0xbb: {  	s0 =	sor.u32 s3, s0;
	s1 =	sshll.u32 s1, $0x11  }
0xbc: {  	s0 =	sor.u32 s1, s0  }
0xbd: {  	s0 =	sadd.s32 $0x8F2B, s0  }
0xbe: {  	[sflag:s0] =	ssyncadd.remote.s32 $0x1  }
0xbf: {  	_ =	sfence.sel $0xFFFF  }
0xc0: {  	[dreg:$0x0] =	wrdreg $0xFFFFFFFF;
	(pc) =	sbr.abs _section_cstart, $3  }
0xc1: {  	[dreg:$0x1] =	wrdreg $0xFFFFFFFF  }
0xc2: {  	_ =	task.clear_ibuf [dreg:s7], $0x2FFFF;
	_ =	strace $0x9FFFFFFF  }
0xc3: {  	(tm) =	ssettm $0x7FFFFFFF  }
tec
execute0_lowered:
.L_overlay_start_1:
0x0: {  	(tag) =	ssettag $0x1  }
0x1: {  	s0 =	rddreg [dreg:$0x0]  }
0x2: {  	s1 =	rddreg [dreg:$0x1];
	s12 =	stileid.u32  }
0x3: {  	s2 =	rddreg [dreg:$0x2];
	s4 =	simm.s32 $0x0;
	s5 =	smul.u32 $0x2800, s12  }
0x4: {  	s3 =	srdreg.scid;
	s17 =	simm.s32 $0x14000;
	s10 =	smul.u32 $0x50000, s12  }
0x5: {  	s28 =	simm.s32 $0x4;
	s29 =	simm.s32 $0x0;
	s11 =	smul.u32 $0x50, s12  }
0x6: {  	[smem:$0x7FF] =	sst s4;
	s3 =	sand.u32 $0x1, s3;
	s13 =	smul.u32 $0x500, s12  }
0x7: {  	s6 =	sshll.u32 s12, $0x1;
	s15 =	sadd.s32 $0x2200, s0;
	s7 =	smul.u32 $0x28000, s3  }
0x8: {  	s8 =	sadd.s32 $0x282200, s0;
	s23 =	sshll.u32 s12, $0x6;
	s25 =	smul.u32 $0x28, s3  }
0x9: {  	s6 =	sor.u32 s3, s6;
	s19 =	ssub.s32 $0x2, s3;
	s3 =	smul.u32 $0x280, s3  }
0xa: {  	_ =	strace $0x80000047;
	[dreg:$0x4] =	wrdreg s8;
	s18 =	smul.u32 $0x280, s6  }
0xb: {  	s8 =	sor.u32 $0x1C05, s23;
	s23 =	simm.s32 $0x1;
	s9 =	smul.u32 $0x14000, s6  }
0xc: {  	s20 =	sshrl.u32 s19, $0x1;
	s6 =	smul.u32 $0x28, s6;
	s5 =	sadd.s32 s5, s7  }
0xd: {  	s22 =	sshrl.u32 s10, $0x2;
	s13 =	sadd.s32 s3, s13;
	s0 =	sadd.s32 s5, s0  }
0xe: {  	s5 =	ssub.s32 s19, s20;
	s21 =	sadd.s32 s1, s18;
	s7 =	sadd.s32 s15, s9  }
0xf: {  	s19 =	sadd.s32 s22, s2;
	s6 =	sadd.s32 $0x26, s6;
	s18 =	simm.s32 $0x14100  }
0x10: {  	s20 =	simm.s32 $0x5;
	s22 =	simm.s32 $0x18100;
	[dreg:$0x5] =	wrdreg s21  }
0x11: {  	s9 =	sadd.s32 $0x284A00, s0;
	s24 =	sshll.u32 s6, $0x4;
	s10 =	smax.u32 s5, $0x1  }
0x12: {  	s6 =	sshll.u32 s6, $0xB;
	s5 =	sadd.s32 s25, s11;
	s19 =	sshrl.u32 s19, $0x3  }
0x13: {  	s21 =	simm.s32 $0x14080;
	s25 =	simm.s32 $0x80;
	s0 =	sand.u32 $0xFF80, s24  }
0x14: {  	s6 =	sadd.s32 s6, s15;
	s26 =	sor.u32 $0x2, s5;
	s30 =	sshll.u32 s5, $0xB  }
0x15: {  	s24 =	simm.s32 $0x3;
	s0 =	sadd.s32 s1, s0;
	s12 =	sadd.s32 $0x800, s6  }
0x16: {  	s3 =	sadd.s32 s30, s15;
	s11 =	sadd.s32 $0x70, s0;
	s0 =	sshrl.u32 s26, $0x1  }
0x17: {  	s14 =	sadd.s32 $0x800, s3;
	s31 =	sshll.u32 s0, $0xC;
	s0 =	sshll.u32 s0, $0x5  }
0x18: {  	s26 =	simm.s32 $0x2;
	s15 =	sadd.s32 s31, s15;
	s16 =	sadd.s32 s0, s1  }
.LBB2_1:
0x19: {  	s0 =	rddreg [dreg:$0x5]  }
0x1a: {  	[tilespmem:s17], [sflag:$0x1] =	stream.linear.gather [hbm4b:s0+s4], $0x80, $0x38;
	[tilespmem:$0x1C100] =	vst v63  }
0x1b: {  	s5 =	rddreg [dreg:$0x4]  }
0x1c: {  	[tilespmem:s18], [sflag:$0x3] =	stream.linear.gather [hbm4b:s7+s4], $0x4000, $0x38;
	[tilespmem:$0x1C100] =	vst v63  }
0x1d: {  	[spmem:s19], [sflag:s8] =	dma.local [hbm:s5], $0x2800  }
0x1e: {  	_ =	swait.ge [sflag:s20], $0x2800  }
0x1f: {  	s6 =	sand.u32 $0xFFFFF80, s13;
	s3 =	sadd.s32 $0x10, s13;
	[sflag:s20] =	ssyncset.done $0x0  }
0x20: {  	s3 =	sand.u32 $0x70, s3;
	s0 =	sadd.s32 s1, s6;
	[sflag:s20] =	ssyncadd.s32 $0xFFFFD800  }
0x21: {  	s0 =	sadd.s32 s3, s0;
	[bflag:$0x0] =	sbarrier.arrive $0xFFFF  }
0x22: {  	[tilespmem:s21], [sflag:$0x2] =	stream.linear.gather [hbm4b:s0+s4], $0x80, $0x38;
	[tilespmem:$0x1C100] =	vst v63  }
0x23: {  	s5 =	sadd.s32 $0x0, s14  }
0x24: {  	[tilespmem:s22], [sflag:$0x4] =	stream.linear.gather [hbm4b:s5+s4], $0x4000, $0x38;
	[tilespmem:$0x1C100] =	vst v63  }
0x25: {  	_ =	swait.ge [sflag:s23], $0x80  }
0x26: {  	[sflag:s23] =	ssyncset.done $0x0  }
0x27: {  	[sflag:s23] =	ssyncadd.s32 $0xFFFFFF80  }
0x28: {  	_ =	swait.ge [sflag:s24], $0x4000  }
0x29: {  	[sflag:s24] =	ssyncset.done $0x0  }
0x2a: {  	[sflag:s24] =	ssyncadd.s32 $0xFFFFC000  }
0x2b: {  	[spmem:s2] =	stream.indirect.scatter.add.f32 [tilespmem:s18], [sflag:$0x5], $0x80, s17, s25, $0xb8;
	[tilespmem:$0x1C100] =	vst v63  }
0x2c: {  	_ =	swait.ge [sflag:s20], $0x4000  }
0x2d: {  	[sflag:s20] =	ssyncset.done $0x0  }
0x2e: {  	[sflag:s20] =	ssyncadd.s32 $0xFFFFC000  }
0x2f: {  	[tilespmem:s17], [sflag:$0x1] =	stream.linear.gather [hbm4b:s16+s4], $0x80, $0x38;
	[tilespmem:$0x1C100] =	vst v63  }
0x30: {  	s6 =	sadd.s32 $0x0, s15  }
0x31: {  	[tilespmem:s18], [sflag:$0x3] =	stream.linear.gather [hbm4b:s6+s4], $0x4000, $0x38;
	[tilespmem:$0x1C100] =	vst v63  }
0x32: {  	_ =	swait.ge [sflag:s26], $0x80  }
0x33: {  	[sflag:s26] =	ssyncset.done $0x0  }
0x34: {  	[sflag:s26] =	ssyncadd.s32 $0xFFFFFF80  }
0x35: {  	_ =	swait.ge [sflag:s28], $0x4000  }
0x36: {  	s30 =	simm.s32 $0x1000;
	s31 =	smov.u32 s16;
	[sflag:s28] =	ssyncset.done $0x0  }
0x37: {  	s3 =	sadd.s32 $0x20, s13;
	s0 =	simm.s32 $0x2000;
	[sflag:s28] =	ssyncadd.s32 $0xFFFFC000  }
0x38: {  	[spmem:s2] =	stream.indirect.scatter.add.f32 [tilespmem:s22], [sflag:$0x5], $0x80, s21, s25, $0xb8;
	[tilespmem:$0x1C100] =	vst v63  }
0x39: {  	s5 =	sadd.s32 $0x10, s3;
	s6 =	sand.u32 $0xFFFFF80, s3;
	_ =	swait.ge [sflag:s20], $0x4000  }
0x3a: {  	s5 =	sand.u32 $0x70, s5;
	s6 =	sadd.s32 s1, s6;
	[sflag:s20] =	ssyncset.done $0x0  }
.LBB2_2:
0x3b: {  	s5 =	sadd.s32 s5, s6  }
0x3c: {  	[sflag:s20] =	ssyncadd.s32 $0xFFFFC000;
	s31 =	sadd.s32 $0x20, s31;
	s6 =	smov.u32 s0  }
0x3d: {  	[tilespmem:s21], [sflag:$0x2] =	stream.linear.gather [hbm4b:s5+s4], $0x80, $0x38;
	[tilespmem:$0x1C100] =	vst v63  }
0x3e: {  	p0 =	sne.s32 s0, $0x12000;
	s0 =	sadd.s32 $0x1000, s0;
	s5 =	sadd.s32 s30, s14  }
0x3f: {  	[tilespmem:s22], [sflag:$0x4] =	stream.linear.gather [hbm4b:s5+s4], $0x4000, $0x38;
	[tilespmem:$0x1C100] =	vst v63  }
0x40: {  	_ =	swait.ge [sflag:s23], $0x80  }
0x41: {  	[sflag:s23] =	ssyncset.done $0x0  }
0x42: {  	[sflag:s23] =	ssyncadd.s32 $0xFFFFFF80  }
0x43: {  	_ =	swait.ge [sflag:s24], $0x4000  }
0x44: {  	[sflag:s24] =	ssyncset.done $0x0  }
0x45: {  	[sflag:s24] =	ssyncadd.s32 $0xFFFFC000  }
0x46: {  	[spmem:s2] =	stream.indirect.scatter.add.f32 [tilespmem:s18], [sflag:$0x5], $0x80, s17, s25, $0xb8;
	[tilespmem:$0x1C100] =	vst v63  }
0x47: {  	_ =	swait.ge [sflag:s20], $0x4000  }
0x48: {  	[sflag:s20] =	ssyncset.done $0x0  }
0x49: {  	[sflag:s20] =	ssyncadd.s32 $0xFFFFC000  }
0x4a: {  	[tilespmem:s17], [sflag:$0x1] =	stream.linear.gather [hbm4b:s31+s4], $0x80, $0x38;
	[tilespmem:$0x1C100] =	vst v63  }
0x4b: {  	s5 =	sadd.s32 s30, s15;
	s30 =	smov.u32 s6  }
0x4c: {  	[tilespmem:s18], [sflag:$0x3] =	stream.linear.gather [hbm4b:s5+s4], $0x4000, $0x38;
	[tilespmem:$0x1C100] =	vst v63  }
0x4d: {  	_ =	swait.ge [sflag:s26], $0x80  }
0x4e: {  	[sflag:s26] =	ssyncset.done $0x0  }
0x4f: {  	[sflag:s26] =	ssyncadd.s32 $0xFFFFFF80  }
0x50: {  	_ =	swait.ge [sflag:s28], $0x4000  }
.Ltmp0:
0x51: {  	[sflag:s28] =	ssyncset.done $0x0;
	(pc) =	sbr.rel @p0 .LBB2_2-.Ltmp0, $4  }
0x52: {  	s3 =	sadd.s32 $0x20, s3;
	[sflag:s28] =	ssyncadd.s32 $0xFFFFC000  }
0x53: {  	[spmem:s2] =	stream.indirect.scatter.add.f32 [tilespmem:s22], [sflag:$0x5], $0x80, s21, s25, $0xb8;
	[tilespmem:$0x1C100] =	vst v63  }
0x54: {  	s6 =	sand.u32 $0xFFFFF80, s3;
	s5 =	sadd.s32 $0x10, s3;
	_ =	swait.ge [sflag:s20], $0x4000  }
0x55: {  	s6 =	sadd.s32 s1, s6;
	s5 =	sand.u32 $0x70, s5;
	[sflag:s20] =	ssyncset.done $0x0  }
0x56: {  	s0 =	sadd.s32 s5, s6;
	[sflag:s20] =	ssyncadd.s32 $0xFFFFC000  }
0x57: {  	[tilespmem:s21], [sflag:$0x2] =	stream.linear.gather [hbm4b:s0+s4], $0x80, $0x38;
	[tilespmem:$0x1C100] =	vst v63  }
0x58: {  	s5 =	sadd.s32 s30, s14  }
0x59: {  	[tilespmem:s22], [sflag:$0x4] =	stream.linear.gather [hbm4b:s5+s4], $0x4000, $0x38;
	[tilespmem:$0x1C100] =	vst v63  }
0x5a: {  	_ =	swait.ge [sflag:s23], $0x80  }
0x5b: {  	[sflag:s23] =	ssyncset.done $0x0  }
0x5c: {  	[sflag:s23] =	ssyncadd.s32 $0xFFFFFF80  }
0x5d: {  	_ =	swait.ge [sflag:s24], $0x4000  }
0x5e: {  	[sflag:s24] =	ssyncset.done $0x0  }
0x5f: {  	[sflag:s24] =	ssyncadd.s32 $0xFFFFC000  }
0x60: {  	[spmem:s2] =	stream.indirect.scatter.add.f32 [tilespmem:s18], [sflag:$0x5], $0x80, s17, s25, $0xb8;
	[tilespmem:$0x1C100] =	vst v63  }
0x61: {  	_ =	swait.ge [sflag:s20], $0x4000  }
0x62: {  	[sflag:s20] =	ssyncset.done $0x0  }
0x63: {  	s6 =	sadd.s32 $0x20, s31;
	[sflag:s20] =	ssyncadd.s32 $0xFFFFC000  }
0x64: {  	[tilespmem:s17], [sflag:$0x1] =	stream.linear.gather [hbm4b:s6+s4], $0x80, $0x38;
	[tilespmem:$0x1C100] =	vst v63  }
0x65: {  	s31 =	sadd.s32 s30, s15  }
0x66: {  	[tilespmem:s18], [sflag:$0x3] =	stream.linear.gather [hbm4b:s31+s4], $0x4000, $0x38;
	[tilespmem:$0x1C100] =	vst v63  }
0x67: {  	_ =	swait.ge [sflag:s26], $0x80  }
0x68: {  	[sflag:s26] =	ssyncset.done $0x0  }
0x69: {  	[sflag:s26] =	ssyncadd.s32 $0xFFFFFF80  }
0x6a: {  	_ =	swait.ge [sflag:s28], $0x4000  }
0x6b: {  	[sflag:s28] =	ssyncset.done $0x0  }
0x6c: {  	[sflag:s28] =	ssyncadd.s32 $0xFFFFC000  }
0x6d: {  	[spmem:s2] =	stream.indirect.scatter.add.f32 [tilespmem:s22], [sflag:$0x5], $0x80, s21, s25, $0xb8;
	[tilespmem:$0x1C100] =	vst v63  }
0x6e: {  	_ =	swait.ge [sflag:s20], $0x4000  }
0x6f: {  	[sflag:s20] =	ssyncset.done $0x0  }
0x70: {  	[sflag:s20] =	ssyncadd.s32 $0xFFFFC000  }
0x71: {  	[tilespmem:s21], [sflag:$0x2] =	stream.linear.gather [hbm4b:s11+s4], $0x80, $0x38;
	[tilespmem:$0x1C100] =	vst v63  }
0x72: {  	_ = 	snop  }
0x73: {  	[tilespmem:s22], [sflag:$0x4] =	stream.linear.gather [hbm4b:s12+s4], $0x4000, $0x38;
	[tilespmem:$0x1C100] =	vst v63  }
0x74: {  	_ =	swait.ge [sflag:s23], $0x80  }
0x75: {  	[sflag:s23] =	ssyncset.done $0x0  }
0x76: {  	[sflag:s23] =	ssyncadd.s32 $0xFFFFFF80  }
0x77: {  	_ =	swait.ge [sflag:s24], $0x4000  }
0x78: {  	[sflag:s24] =	ssyncset.done $0x0  }
0x79: {  	[sflag:s24] =	ssyncadd.s32 $0xFFFFC000  }
0x7a: {  	[spmem:s2] =	stream.indirect.scatter.add.f32 [tilespmem:s18], [sflag:$0x5], $0x80, s17, s25, $0xb8;
	[tilespmem:$0x1C100] =	vst v63  }
0x7b: {  	_ =	swait.ge [sflag:s20], $0x4000  }
0x7c: {  	[sflag:s20] =	ssyncset.done $0x0  }
0x7d: {  	[sflag:s20] =	ssyncadd.s32 $0xFFFFC000  }
0x7e: {  	_ =	swait.ge [sflag:s26], $0x80  }
0x7f: {  	[sflag:s26] =	ssyncset.done $0x0  }
0x80: {  	[sflag:s26] =	ssyncadd.s32 $0xFFFFFF80  }
0x81: {  	_ =	swait.ge [sflag:s28], $0x4000  }
0x82: {  	[sflag:s28] =	ssyncset.done $0x0  }
0x83: {  	[sflag:s28] =	ssyncadd.s32 $0xFFFFC000  }
0x84: {  	[spmem:s2] =	stream.indirect.scatter.add.f32 [tilespmem:s22], [sflag:$0x5], $0x80, s21, s25, $0xb8;
	[tilespmem:$0x1C100] =	vst v63  }
0x85: {  	_ =	swait.ge [sflag:s20], $0x4000  }
0x86: {  	s29 =	sadd.s32 $0x1, s29;
	[sflag:s20] =	ssyncset.done $0x0  }
0x87: {  	p0 =	sne.s32 s29, s10;
	[sflag:s20] =	ssyncadd.s32 $0xFFFFC000  }
.Ltmp1:
0x88: {  	[bflag:$0x0] =	sbarrier.arrive $0xFFFF;
	(pc) =	sbr.rel @p0 .LBB2_1-.Ltmp1, $4  }
0x89: {  	[hbm:s9], [sflag:s8] =	dma.local [spmem:s19], $0x2800  }
0x8a: {  	_ =	swait.ge [sflag:s20], $0x2800  }
0x8b: {  	[sflag:s20] =	ssyncset.done $0x0  }
0x8c: {  	[sflag:s20] =	ssyncadd.s32 $0xFFFFD800  }
0x8d: {  	_ =	sfence.sel $0x180000  }
0x8e: {  	[bflag:$0x0] =	sbarrier.arrive $0xFFFF  }
0x8f: {  	_ =	strace $0x90000047  }
0x90: {  	s0 =	stileid.u32;
	[bflag:$0x2] =	sbarrier.arrive $0xFFFF  }
0x91: {  	p0 =	sne.s32 s0, $0x0;
	s0 =	rddreg [dreg:$0x3]  }
0x92: {  	s0 =	sadd.s32 @!p0 $0x100000, s0  }
0x93: {  	[sflag:s0] =	ssyncadd.tile.s32 @!p0 $0x1;
	_ =	shalt  }
.Lfunc_end2:
_tile_overlayer_lowered:
.L_overlay_start_2:
0x94: {  	(tag) =	ssettag $0x2  }
0x95: {  	s0 =	rddreg [dreg:$0x0];
	s2 =	stileid.u32  }
0x96: {  	s1 =	rddreg [dreg:$0x1];
	p0 =	sne.s32 s2, $0x0  }
0x97: {  	s3 =	rddreg [dreg:$0x2];
	[bflag:$0x3] =	sbarrier.arrive $0xFFFF;
	s2 =	simm.s32 @!p0 $0x1C05  }
0x98: {  	[timem:s3], [sflag:s2] =	dma.local @!p0 [hbm:s0], s1  }
0x99: {  	s0 =	simm.s32 @!p0 $0x5  }
0x9a: {  	_ =	swait.ge @!p0 [sflag:s0], s1  }
0x9b: {  	s1 =	ssub.s32 @!p0 $0x0, s1;
	[sflag:s0] =	ssyncset.done @!p0 $0x0  }
0x9c: {  	[sflag:s0] =	ssyncadd.s32 @!p0 s1  }
0x9d: {  	[bflag:$0x3] =	sbarrier.arrive $0xFFFF  }
0x9e: {  	_ =	shalt  }

// kernel: kernel.7.cloned.1.call-start
scs
__scs_entry_jumppad:
0x0: {  	(pc) =	sbr.rel $0x88, $3  }
0x1: {  	(tag) =	ssettag $0x0;
	lr =	simm.s32 $0x1  }
0x2: {  	[smem:$0x3F95] =	sst lr;
	_ =	strace $0xD0000000  }
0x3: {  	_ = 	snop  }
0x4: {  	_ = 	snop  }
0x5: {  	_ = 	snop  }
0x6: {  	_ = 	snop  }
0x7: {  	_ = 	snop  }
__scs_overlays_trampoline_lowered:
0x8: {  	[smem:$0x3FA4] =	sst s0  }
0x9: {  	[smem:$0x3FA5] =	sst s1  }
0xa: {  	[smem:$0x3FA6] =	sst s2  }
0xb: {  	[smem:$0x3FA7] =	sst s3  }
0xc: {  	[smem:$0x3FA8] =	sst s4  }
0xd: {  	[smem:$0x3FA9] =	sst s5  }
0xe: {  	[smem:$0x3FAA] =	sst s6  }
0xf: {  	[smem:$0x3FAB] =	sst s7  }
0x10: {  	[smem:$0x3FAC] =	sst s8  }
0x11: {  	[smem:$0x3FAD] =	sst s9;
	s0 =	simm.s32 @!p0 $0x0  }
0x12: {  	s1 =	sld [smem:$0x3F93];
	s0 =	simm.s32 @p0 $0x1  }
0x13: {  	[smem:$0x3FAE] =	sst s0;
	s0 =	simm.s32 @!p1 $0x0  }
0x14: {  	s2 =	sld [smem:$0x3F92];
	s0 =	simm.s32 @p1 $0x1  }
0x15: {  	[smem:$0x3FAF] =	sst s0;
	s0 =	simm.s32 @!p2 $0x0  }
0x16: {  	s3 =	sld [smem:$0x3FDB];
	s0 =	simm.s32 @p2 $0x1  }
0x17: {  	s4 =	simm.s32 $0x1BF5;
	[smem:$0x3FB1] =	sst s0  }
0x18: {  	s0 =	sld [smem:$0x3F94];
	_ =	swait.ge [sflag:s4], $0x0  }
0x19: {  	s7 =	sld [smem:$0x3F95]  }
0x1a: {  	s8 =	sadd.s32 $0xFFFFE003, lr  }
0x1b: {  	s9 =	sadd.s32 $0xFFFFFEF7, lr;
	s5 =	simm.s32 $0xFFFFFFFF;
	p2 =	slt.u32 s8, $0xFFFFF086  }
0x1c: {  	p1 =	slt.u32 s9, $0xF7A;
	s5 =	simm.s32 @!p2 $0x0  }
0x1d: {  	s5 =	simm.s32 @p1 $0x1;
	p0 =	seq.s32 s7, s2  }
0x1e: {  	s7 =	smul.u32 @!p0 $0xF7A, s2;
	p2 =	seq.s32 @!p0 s5, $0x0  }
0x1f: {  	s9 =	smul.u32 $0xF7A, s1;
	s8 =	simm.s32 @!p0 $0x1BF5;
	p2 =	por !p2, p0  }
0x20: {  	[sflag:s8] =	ssyncset.s32 @!p0 $0xFFFFF086;
	s6 =	sadd.s32 @!p0 s3, s7;
	s7 =	simm.s32 @!p0 $0x108  }
0x21: {  	s3 =	sadd.s32 s3, s9;
	s6 =	sadd.s32 @!p0 $0x88, s6;
	s7 =	simm.s32 @p2 $0x1082  }
0x22: {  	[simem:s7], [sflag:s8] =	dma.local @!p0 [hbm:s6], $0xF7A  }
0x23: {  	s9 =	sor.u32 $0xD0000000, s2;
	s6 =	simm.s32 $0x108;
	_ =	swait.ge @!p0 [sflag:s8], $0x0  }
0x24: {  	s3 =	sadd.s32 $0x88, s3;
	s6 =	simm.s32 @!p1 $0x1082;
	[sflag:s4] =	ssyncset.s32 $0xFFFFF086  }
0x25: {  	[simem:s6], [sflag:s4] =	dma.local [hbm:s3], $0xF7A  }
0x26: {  	[smem:$0x3F95] =	sst s1;
	(tag) =	ssettag s2;
	_ =	strace s9  }
0x27: {  	s1 =	sld [smem:$0x3FA5]  }
0x28: {  	s2 =	sld [smem:$0x3FA6]  }
0x29: {  	s4 =	sld [smem:$0x3FA8]  }
0x2a: {  	p0 =	seq.s32 s5, $0x0;
	s5 =	sld [smem:$0x3FA9]  }
0x2b: {  	s6 =	sld [smem:$0x3FAA]  }
0x2c: {  	s7 =	sld [smem:$0x3FAB]  }
0x2d: {  	s3 =	simm.s32 $0x108;
	s8 =	sld [smem:$0x3FAC]  }
0x2e: {  	s3 =	simm.s32 @!p0 $0x1082;
	s9 =	sld [smem:$0x3FAD]  }
0x2f: {  	lr =	sadd.s32 s0, s3;
	s0 =	sld [smem:$0x3FA4]  }
0x30: {  	s3 =	sld [smem:$0x3FA7]  }
0x31: {  	[smem:$0x3FB0] =	sst s10  }
0x32: {  	s10 =	sld [smem:$0x3FAE];
	_ =	sdelay $0x3  }
0x33: {  	p0 =	seq.s32 s10, $0x1;
	s10 =	sld [smem:$0x3FB0];
	_ =	sdelay $0x3  }
0x34: {  	[smem:$0x3FB0] =	sst s10  }
0x35: {  	s10 =	sld [smem:$0x3FAF];
	_ =	sdelay $0x3  }
0x36: {  	p1 =	seq.s32 s10, $0x1;
	s10 =	sld [smem:$0x3FB0];
	_ =	sdelay $0x3  }
0x37: {  	[smem:$0x3FB0] =	sst s10  }
0x38: {  	s10 =	sld [smem:$0x3FB1]  }
0x39: {  	_ = 	snop;
	(pc) =	sbr.ind lr, $3  }
0x3a: {  	_ = 	snop  }
0x3b: {  	_ = 	snop  }
0x3c: {  	p2 =	seq.s32 s10, $0x1;
	s10 =	sld [smem:$0x3FB0]  }
0x3d: {  	_ =	shalt  }
0x3e: {  	_ =	shalt  }
0x3f: {  	_ =	shalt  }
0x40: {  	_ =	shalt  }
0x41: {  	_ =	shalt  }
0x42: {  	_ =	shalt  }
0x43: {  	_ =	shalt  }
0x44: {  	_ =	shalt  }
0x45: {  	_ =	shalt  }
0x46: {  	_ =	shalt  }
0x47: {  	_ =	shalt  }
0x48: {  	_ =	shalt  }
0x49: {  	_ =	shalt  }
0x4a: {  	_ =	shalt  }
0x4b: {  	_ =	shalt  }
0x4c: {  	_ =	shalt  }
0x4d: {  	_ =	shalt  }
0x4e: {  	_ =	shalt  }
0x4f: {  	_ =	shalt  }
0x50: {  	_ =	shalt  }
0x51: {  	_ =	shalt  }
0x52: {  	_ =	shalt  }
0x53: {  	_ =	shalt  }
0x54: {  	_ =	shalt  }
0x55: {  	_ =	shalt  }
0x56: {  	_ =	shalt  }
0x57: {  	_ =	shalt  }
0x58: {  	_ =	shalt  }
0x59: {  	_ =	shalt  }
0x5a: {  	_ =	shalt  }
0x5b: {  	_ =	shalt  }
0x5c: {  	_ =	shalt  }
0x5d: {  	_ =	shalt  }
0x5e: {  	_ =	shalt  }
0x5f: {  	_ =	shalt  }
0x60: {  	_ =	shalt  }
0x61: {  	_ =	shalt  }
0x62: {  	_ =	shalt  }
0x63: {  	_ =	shalt  }
0x64: {  	_ =	shalt  }
0x65: {  	_ =	shalt  }
0x66: {  	_ =	shalt  }
0x67: {  	_ =	shalt  }
0x68: {  	_ =	shalt  }
0x69: {  	_ =	shalt  }
0x6a: {  	_ =	shalt  }
0x6b: {  	_ =	shalt  }
0x6c: {  	_ =	shalt  }
0x6d: {  	_ =	shalt  }
0x6e: {  	_ =	shalt  }
0x6f: {  	_ =	shalt  }
0x70: {  	_ =	shalt  }
0x71: {  	_ =	shalt  }
0x72: {  	_ =	shalt  }
0x73: {  	_ =	shalt  }
0x74: {  	_ =	shalt  }
0x75: {  	_ =	shalt  }
0x76: {  	_ =	shalt  }
0x77: {  	_ =	shalt  }
0x78: {  	_ =	shalt  }
0x79: {  	_ =	shalt  }
0x7a: {  	_ =	shalt  }
0x7b: {  	_ =	shalt  }
0x7c: {  	_ =	shalt  }
0x7d: {  	_ =	shalt  }
0x7e: {  	_ =	shalt  }
0x7f: {  	_ =	shalt  }
0x80: {  	_ =	shalt  }
0x81: {  	_ =	shalt  }
0x82: {  	_ =	shalt  }
0x83: {  	_ =	shalt  }
0x84: {  	_ =	shalt  }
0x85: {  	_ =	shalt  }
0x86: {  	_ =	shalt  }
0x87: {  	_ =	shalt  }
.Lfunc_end0:
.L_simem_size_0:
called_computation_lowered:
.L_overlay_start_0:
0x88: {  	s2 =	sld [smem:$0x3FD9]  }
0x89: {  	s3 =	sld [smem:$0x3FFE];
	_ =	sdelay $0x1  }
0x8a: {  	s1 =	srdreg.scid  }
0x8b: {  	s0 =	sand.u32 $0x1, s1  }
0x8c: {  	s17 =	sshll.u32 s0, $0xA;
	s2 =	sadd.s32 s3, s2  }
0x8d: {  	s2 =	sadd.s32 s2, s17  }
0x8e: {  	[smem:$0x3FBC] =	sst s2  }
0x8f: {  	_ = 	snop  }
0x90: {  	(tm) =	ssettm $0x1  }
0x91: {  	s18 =	sld [smem:$0x3FFB];
	_ =	sdelay $0x3  }
0x92: {  	_ =	strace s18  }
0x93: {  	s2 =	sld [smem:$0x3FFC];
	_ =	sdelay $0x3  }
0x94: {  	_ =	strace s2  }
0x95: {  	s2 =	sld [smem:$0x3FFD];
	_ =	sdelay $0x3  }
0x96: {  	_ =	strace s2  }
0x97: {  	_ =	strace $0x8FFFFFFF  }
0x98: {  	s19 =	sld [smem:$0x3FDB];
	_ =	sdelay $0x1  }
0x99: {  	s20 =	simm.s32 $_scs_section_size  }
0x9a: {  	s4 =	simm.s32 $_size__tile_overlayer_lowered;
	s5 =	simm.s32 $_tile_overlayer_lowered  }
0x9b: {  	s6 =	simm.s32 $0x1BFF;
	s21 =	sshll.u32 s5, $0x1;
	s3 =	sadd.s32 s20, s19  }
0x9c: {  	s22 =	simm.s32 $0x0;
	s4 =	sshll.u32 s4, $0x1;
	s5 =	sadd.s32 s21, s3  }
0x9d: {  	[timem:s22], [sflag:s6] =	dma.local [hbm:s5], s4  }
0x9e: {  	_ =	swait.ge [sflag:s6], s4  }
0x9f: {  	s4 =	ssub.s32 $0x0, s4;
	[sflag:s6] =	ssyncset.done $0x0  }
0xa0: {  	[sflag:s6] =	ssyncadd.s32 s4;
	_ =	sdelay $0x1  }
0xa1: {  	s23 =	simm.s32 $0x1B8B  }
0xa2: {  	_ =	swait.ge [sflag:s23], $0x1  }
0xa3: {  	[sflag:s23] =	ssyncset.done $0x0  }
0xa4: {  	[sflag:s23] =	ssyncadd.s32 $0xFFFFFFFF  }
0xa5: {  	s4 =	sld [smem:$0x0]  }
0xa6: {  	s5 =	sand.u32 $0xFFFFFFFE, s1  }
0xa7: {  	p0 =	sne.s32 s1, s5  }
0xa8: {  	s5 =	sshll.u32 @p0 s5, $0xE  }
0xa9: {  	s5 =	sadd.s32 @p0 $0x11B8D, s5;
	s6 =	sshll.u32 @p0 s4, $0x11  }
0xaa: {  	s5 =	sor.u32 @p0 s6, s5  }
0xab: {  	[sflag:s5] =	ssyncadd.remote.s32 @p0 $0x1;
	_ =	sdelay $0x1  }
0xac: {  	s5 =	simm.s32 @p0 $0x1B8D  }
0xad: {  	_ =	swait.eq @p0 [sflag:s5], $0x1  }
0xae: {  	[sflag:s5] =	ssyncadd.s32 @p0 $0xFFFFFFFF  }
0xaf: {  	s6 =	sshll.u32 @!p0 s1, $0xE  }
0xb0: {  	s6 =	sor.u32 @!p0 $0x4000, s6;
	s5 =	simm.s32 @!p0 $0x1B8D  }
0xb1: {  	s4 =	sshll.u32 @!p0 s4, $0x11;
	s6 =	sadd.s32 @!p0 $0x11B8D, s6;
	_ =	swait.eq @!p0 [sflag:s5], $0x1  }
0xb2: {  	s4 =	sor.u32 @!p0 s4, s6;
	[sflag:s5] =	ssyncadd.s32 @!p0 $0xFFFFFFFF  }
0xb3: {  	s25 =	simm.s32 $0x1B8E;
	s24 =	sld [smem:$0x3FFE];
	[sflag:s4] =	ssyncadd.remote.s32 @!p0 $0x1  }
0xb4: {  	s26 =	simm.s32 $execute0_lowered;
	[smem:$0x3FD2] =	sst s25  }
0xb5: {  	s5 =	sshll.u32 s26, $0x1;
	_ =	strace $0x80000049;
	[dreg:$0x1] =	wrdreg $0xFFFFFFFF  }
0xb6: {  	s28 =	simm.s32 $_size_execute0_lowered;
	s3 =	sadd.s32 s3, s5;
	[dreg:$0x0] =	wrdreg $0x0  }
0xb7: {  	s5 =	sshll.u32 s28, $0x1;
	[dreg:$0x2] =	wrdreg s3  }
0xb8: {  	[dreg:$0x3] =	wrdreg s5  }
0xb9: {  	[dreg:$0x4] =	wrdreg $0xC0  }
0xba: {  	_ =	task [dreg:s22], $0x5FFFF  }
0xbb: {  	[dreg:$0x1] =	wrdreg $0xFFFFFFFF  }
0xbc: {  	[dreg:$0x0] =	wrdreg $0x60  }
0xbd: {  	[dreg:$0x2] =	wrdreg s24  }
0xbe: {  	[dreg:$0x3] =	wrdreg $0x0  }
0xbf: {  	[dreg:$0x4] =	wrdreg $0x9  }
0xc0: {  	_ =	task.clear_ibuf [dreg:s22], $0x5FFFF;
	_ =	strace $0x90000049  }
0xc1: {  	s29 =	simm.s32 $0x9;
	_ =	strace $0x8000004B  }
0xc2: {  	_ =	swait.ge [sflag:s29], $0x1  }
0xc3: {  	[sflag:s29] =	ssyncadd.s32 $0xFFFFFFFF  }
0xc4: {  	_ =	strace $0x9000004B  }
0xc5: {  	_ =	sfence  }
0xc6: {  	s30 =	sld [smem:$0x0];
	_ =	sdelay $0x2  }
0xc7: {  	s31 =	sshll.u32 s1, $0xD;
	s1 =	sshrl.u32 s1, $0x2  }
0xc8: {  	s4 =	sand.u32 $0x4000, s31;
	s1 =	sadd.s32 s1, s30  }
0xc9: {  	s0 =	sor.u32 s4, s0;
	s1 =	sshll.u32 s1, $0x11  }
0xca: {  	s0 =	sor.u32 s1, s0  }
0xcb: {  	s0 =	sadd.s32 $0x8F2B, s0  }
0xcc: {  	[sflag:s0] =	ssyncadd.remote.s32 $0x1  }
0xcd: {  	_ =	sfence.sel $0xFFFF  }
0xce: {  	[dreg:$0x0] =	wrdreg $0xFFFFFFFF;
	(pc) =	sbr.abs _section_cstart, $3  }
0xcf: {  	[dreg:$0x1] =	wrdreg $0xFFFFFFFF  }
0xd0: {  	_ =	task.clear_ibuf [dreg:s22], $0x2FFFF;
	_ =	strace $0x9FFFFFFF  }
0xd1: {  	(tm) =	ssettm $0x7FFFFFFF  }
tec
execute0_lowered:
.L_overlay_start_1:
0x0: {  	(tag) =	ssettag $0x1  }
0x1: {  	s0 =	rddreg [dreg:$0x0];
	s13 =	stileid.u32  }
0x2: {  	s1 =	rddreg [dreg:$0x1];
	s6 =	smul.u32 $0x2800, s13  }
0x3: {  	s4 =	srdreg.scid;
	s11 =	smul.u32 $0x50000, s13  }
0x4: {  	s2 =	simm.s32 $0x0;
	s5 =	sand.u32 $0x1, s4;
	s24 =	smul.u32 $0x50, s13  }
0x5: {  	s7 =	sshll.u32 s13, $0x1;
	s21 =	sshll.u32 s13, $0x6;
	s13 =	smul.u32 $0x500, s13  }
0x6: {  	s28 =	simm.s32 $0x4;
	s3 =	sadd.s32 $0x2D4A00, s0;
	s8 =	smul.u32 $0x28000, s5  }
0x7: {  	s29 =	simm.s32 $0x0;
	s4 =	sadd.s32 $0x554A00, s0;
	s25 =	smul.u32 $0x28, s5  }
0x8: {  	s7 =	sor.u32 s5, s7;
	s17 =	ssub.s32 $0x2, s5;
	s5 =	smul.u32 $0x280, s5  }
0x9: {  	[smem:$0x7FF] =	sst s2;
	s9 =	sadd.s32 $0x282200, s0;
	s16 =	smul.u32 $0x280, s7  }
0xa: {  	_ =	strace $0x8000004A;
	[dreg:$0x3] =	wrdreg s9;
	s10 =	smul.u32 $0x14000, s7  }
0xb: {  	s18 =	sshrl.u32 s17, $0x1;
	s12 =	smul.u32 $0x28, s7;
	s20 =	sshrl.u32 s11, $0x2  }
0xc: {  	s6 =	sadd.s32 s6, s8;
	s8 =	sor.u32 $0x1C05, s21;
	s13 =	sadd.s32 s5, s13  }
0xd: {  	s21 =	simm.s32 $0x14080;
	s0 =	sadd.s32 s6, s0;
	s6 =	ssub.s32 s17, s18  }
0xe: {  	s19 =	sadd.s32 s4, s16;
	s7 =	sadd.s32 s3, s10;
	s22 =	sadd.s32 $0x26, s12  }
0xf: {  	s17 =	simm.s32 $0x14000;
	s18 =	simm.s32 $0x14100;
	[dreg:$0x4] =	wrdreg s19  }
0x10: {  	s19 =	sadd.s32 s20, s1;
	s9 =	sadd.s32 $0x559A00, s0;
	s23 =	sshll.u32 s22, $0x4  }
0x11: {  	s10 =	smax.u32 s6, $0x1;
	s11 =	sshll.u32 s22, $0xB;
	s6 =	sadd.s32 s25, s24  }
0x12: {  	s20 =	simm.s32 $0x5;
	s22 =	simm.s32 $0x18100;
	s24 =	simm.s32 $0x3  }
0x13: {  	s25 =	simm.s32 $0x80;
	s0 =	sand.u32 $0xFF80, s23;
	s14 =	sadd.s32 s11, s3  }
0x14: {  	s26 =	sor.u32 $0x2, s6;
	s30 =	sshll.u32 s6, $0xB;
	s19 =	sshrl.u32 s19, $0x3  }
0x15: {  	s23 =	simm.s32 $0x1;
	s0 =	sadd.s32 s4, s0;
	s12 =	sadd.s32 $0x800, s14  }
0x16: {  	s5 =	sadd.s32 s30, s3;
	s11 =	sadd.s32 $0x70, s0;
	s0 =	sshrl.u32 s26, $0x1  }
0x17: {  	s14 =	sadd.s32 $0x800, s5;
	s31 =	sshll.u32 s0, $0xC;
	s0 =	sshll.u32 s0, $0x5  }
0x18: {  	s26 =	simm.s32 $0x2;
	s15 =	sadd.s32 s31, s3;
	s16 =	sadd.s32 s0, s4  }
.LBB2_1:
0x19: {  	s0 =	rddreg [dreg:$0x4]  }
0x1a: {  	[tilespmem:s17], [sflag:$0x1] =	stream.linear.gather [hbm4b:s0+s2], $0x80, $0x38;
	[tilespmem:$0x1C100] =	vst v63  }
0x1b: {  	s5 =	rddreg [dreg:$0x3]  }
0x1c: {  	[tilespmem:s18], [sflag:$0x3] =	stream.linear.gather [hbm4b:s7+s2], $0x4000, $0x38;
	[tilespmem:$0x1C100] =	vst v63  }
0x1d: {  	[spmem:s19], [sflag:s8] =	dma.local [hbm:s5], $0x2800  }
0x1e: {  	_ =	swait.ge [sflag:s20], $0x2800  }
0x1f: {  	s6 =	sand.u32 $0xFFFFF80, s13;
	s3 =	sadd.s32 $0x10, s13;
	[sflag:s20] =	ssyncset.done $0x0  }
0x20: {  	s3 =	sand.u32 $0x70, s3;
	s0 =	sadd.s32 s4, s6;
	[sflag:s20] =	ssyncadd.s32 $0xFFFFD800  }
0x21: {  	s0 =	sadd.s32 s3, s0;
	[bflag:$0x0] =	sbarrier.arrive $0xFFFF  }
0x22: {  	[tilespmem:s21], [sflag:$0x2] =	stream.linear.gather [hbm4b:s0+s2], $0x80, $0x38;
	[tilespmem:$0x1C100] =	vst v63  }
0x23: {  	s5 =	sadd.s32 $0x0, s14  }
0x24: {  	[tilespmem:s22], [sflag:$0x4] =	stream.linear.gather [hbm4b:s5+s2], $0x4000, $0x38;
	[tilespmem:$0x1C100] =	vst v63  }
0x25: {  	_ =	swait.ge [sflag:s23], $0x80  }
0x26: {  	[sflag:s23] =	ssyncset.done $0x0  }
0x27: {  	[sflag:s23] =	ssyncadd.s32 $0xFFFFFF80  }
0x28: {  	_ =	swait.ge [sflag:s24], $0x4000  }
0x29: {  	[sflag:s24] =	ssyncset.done $0x0  }
0x2a: {  	[sflag:s24] =	ssyncadd.s32 $0xFFFFC000  }
0x2b: {  	[spmem:s1] =	stream.indirect.scatter.add.f32 [tilespmem:s18], [sflag:$0x5], $0x80, s17, s25, $0xb8;
	[tilespmem:$0x1C100] =	vst v63  }
0x2c: {  	_ =	swait.ge [sflag:s20], $0x4000  }
0x2d: {  	[sflag:s20] =	ssyncset.done $0x0  }
0x2e: {  	[sflag:s20] =	ssyncadd.s32 $0xFFFFC000  }
0x2f: {  	[tilespmem:s17], [sflag:$0x1] =	stream.linear.gather [hbm4b:s16+s2], $0x80, $0x38;
	[tilespmem:$0x1C100] =	vst v63  }
0x30: {  	s6 =	sadd.s32 $0x0, s15  }
0x31: {  	[tilespmem:s18], [sflag:$0x3] =	stream.linear.gather [hbm4b:s6+s2], $0x4000, $0x38;
	[tilespmem:$0x1C100] =	vst v63  }
0x32: {  	_ =	swait.ge [sflag:s26], $0x80  }
0x33: {  	[sflag:s26] =	ssyncset.done $0x0  }
0x34: {  	[sflag:s26] =	ssyncadd.s32 $0xFFFFFF80  }
0x35: {  	_ =	swait.ge [sflag:s28], $0x4000  }
0x36: {  	s30 =	simm.s32 $0x1000;
	s31 =	smov.u32 s16;
	[sflag:s28] =	ssyncset.done $0x0  }
0x37: {  	s3 =	sadd.s32 $0x20, s13;
	s0 =	simm.s32 $0x2000;
	[sflag:s28] =	ssyncadd.s32 $0xFFFFC000  }
0x38: {  	[spmem:s1] =	stream.indirect.scatter.add.f32 [tilespmem:s22], [sflag:$0x5], $0x80, s21, s25, $0xb8;
	[tilespmem:$0x1C100] =	vst v63  }
0x39: {  	s5 =	sadd.s32 $0x10, s3;
	s6 =	sand.u32 $0xFFFFF80, s3;
	_ =	swait.ge [sflag:s20], $0x4000  }
0x3a: {  	s5 =	sand.u32 $0x70, s5;
	s6 =	sadd.s32 s4, s6;
	[sflag:s20] =	ssyncset.done $0x0  }
.LBB2_2:
0x3b: {  	s5 =	sadd.s32 s5, s6  }
0x3c: {  	[sflag:s20] =	ssyncadd.s32 $0xFFFFC000;
	s31 =	sadd.s32 $0x20, s31;
	s6 =	smov.u32 s0  }
0x3d: {  	[tilespmem:s21], [sflag:$0x2] =	stream.linear.gather [hbm4b:s5+s2], $0x80, $0x38;
	[tilespmem:$0x1C100] =	vst v63  }
0x3e: {  	p0 =	sne.s32 s0, $0x12000;
	s0 =	sadd.s32 $0x1000, s0;
	s5 =	sadd.s32 s30, s14  }
0x3f: {  	[tilespmem:s22], [sflag:$0x4] =	stream.linear.gather [hbm4b:s5+s2], $0x4000, $0x38;
	[tilespmem:$0x1C100] =	vst v63  }
0x40: {  	_ =	swait.ge [sflag:s23], $0x80  }
0x41: {  	[sflag:s23] =	ssyncset.done $0x0  }
0x42: {  	[sflag:s23] =	ssyncadd.s32 $0xFFFFFF80  }
0x43: {  	_ =	swait.ge [sflag:s24], $0x4000  }
0x44: {  	[sflag:s24] =	ssyncset.done $0x0  }
0x45: {  	[sflag:s24] =	ssyncadd.s32 $0xFFFFC000  }
0x46: {  	[spmem:s1] =	stream.indirect.scatter.add.f32 [tilespmem:s18], [sflag:$0x5], $0x80, s17, s25, $0xb8;
	[tilespmem:$0x1C100] =	vst v63  }
0x47: {  	_ =	swait.ge [sflag:s20], $0x4000  }
0x48: {  	[sflag:s20] =	ssyncset.done $0x0  }
0x49: {  	[sflag:s20] =	ssyncadd.s32 $0xFFFFC000  }
0x4a: {  	[tilespmem:s17], [sflag:$0x1] =	stream.linear.gather [hbm4b:s31+s2], $0x80, $0x38;
	[tilespmem:$0x1C100] =	vst v63  }
0x4b: {  	s5 =	sadd.s32 s30, s15;
	s30 =	smov.u32 s6  }
0x4c: {  	[tilespmem:s18], [sflag:$0x3] =	stream.linear.gather [hbm4b:s5+s2], $0x4000, $0x38;
	[tilespmem:$0x1C100] =	vst v63  }
0x4d: {  	_ =	swait.ge [sflag:s26], $0x80  }
0x4e: {  	[sflag:s26] =	ssyncset.done $0x0  }
0x4f: {  	[sflag:s26] =	ssyncadd.s32 $0xFFFFFF80  }
0x50: {  	_ =	swait.ge [sflag:s28], $0x4000  }
.Ltmp0:
0x51: {  	[sflag:s28] =	ssyncset.done $0x0;
	(pc) =	sbr.rel @p0 .LBB2_2-.Ltmp0, $4  }
0x52: {  	s3 =	sadd.s32 $0x20, s3;
	[sflag:s28] =	ssyncadd.s32 $0xFFFFC000  }
0x53: {  	[spmem:s1] =	stream.indirect.scatter.add.f32 [tilespmem:s22], [sflag:$0x5], $0x80, s21, s25, $0xb8;
	[tilespmem:$0x1C100] =	vst v63  }
0x54: {  	s6 =	sand.u32 $0xFFFFF80, s3;
	s5 =	sadd.s32 $0x10, s3;
	_ =	swait.ge [sflag:s20], $0x4000  }
0x55: {  	s6 =	sadd.s32 s4, s6;
	s5 =	sand.u32 $0x70, s5;
	[sflag:s20] =	ssyncset.done $0x0  }
0x56: {  	s0 =	sadd.s32 s5, s6;
	[sflag:s20] =	ssyncadd.s32 $0xFFFFC000  }
0x57: {  	[tilespmem:s21], [sflag:$0x2] =	stream.linear.gather [hbm4b:s0+s2], $0x80, $0x38;
	[tilespmem:$0x1C100] =	vst v63  }
0x58: {  	s5 =	sadd.s32 s30, s14  }
0x59: {  	[tilespmem:s22], [sflag:$0x4] =	stream.linear.gather [hbm4b:s5+s2], $0x4000, $0x38;
	[tilespmem:$0x1C100] =	vst v63  }
0x5a: {  	_ =	swait.ge [sflag:s23], $0x80  }
0x5b: {  	[sflag:s23] =	ssyncset.done $0x0  }
0x5c: {  	[sflag:s23] =	ssyncadd.s32 $0xFFFFFF80  }
0x5d: {  	_ =	swait.ge [sflag:s24], $0x4000  }
0x5e: {  	[sflag:s24] =	ssyncset.done $0x0  }
0x5f: {  	[sflag:s24] =	ssyncadd.s32 $0xFFFFC000  }
0x60: {  	[spmem:s1] =	stream.indirect.scatter.add.f32 [tilespmem:s18], [sflag:$0x5], $0x80, s17, s25, $0xb8;
	[tilespmem:$0x1C100] =	vst v63  }
0x61: {  	_ =	swait.ge [sflag:s20], $0x4000  }
0x62: {  	[sflag:s20] =	ssyncset.done $0x0  }
0x63: {  	s6 =	sadd.s32 $0x20, s31;
	[sflag:s20] =	ssyncadd.s32 $0xFFFFC000  }
0x64: {  	[tilespmem:s17], [sflag:$0x1] =	stream.linear.gather [hbm4b:s6+s2], $0x80, $0x38;
	[tilespmem:$0x1C100] =	vst v63  }
0x65: {  	s31 =	sadd.s32 s30, s15  }
0x66: {  	[tilespmem:s18], [sflag:$0x3] =	stream.linear.gather [hbm4b:s31+s2], $0x4000, $0x38;
	[tilespmem:$0x1C100] =	vst v63  }
0x67: {  	_ =	swait.ge [sflag:s26], $0x80  }
0x68: {  	[sflag:s26] =	ssyncset.done $0x0  }
0x69: {  	[sflag:s26] =	ssyncadd.s32 $0xFFFFFF80  }
0x6a: {  	_ =	swait.ge [sflag:s28], $0x4000  }
0x6b: {  	[sflag:s28] =	ssyncset.done $0x0  }
0x6c: {  	[sflag:s28] =	ssyncadd.s32 $0xFFFFC000  }
0x6d: {  	[spmem:s1] =	stream.indirect.scatter.add.f32 [tilespmem:s22], [sflag:$0x5], $0x80, s21, s25, $0xb8;
	[tilespmem:$0x1C100] =	vst v63  }
0x6e: {  	_ =	swait.ge [sflag:s20], $0x4000  }
0x6f: {  	[sflag:s20] =	ssyncset.done $0x0  }
0x70: {  	[sflag:s20] =	ssyncadd.s32 $0xFFFFC000  }
0x71: {  	[tilespmem:s21], [sflag:$0x2] =	stream.linear.gather [hbm4b:s11+s2], $0x80, $0x38;
	[tilespmem:$0x1C100] =	vst v63  }
0x72: {  	_ = 	snop  }
0x73: {  	[tilespmem:s22], [sflag:$0x4] =	stream.linear.gather [hbm4b:s12+s2], $0x4000, $0x38;
	[tilespmem:$0x1C100] =	vst v63  }
0x74: {  	_ =	swait.ge [sflag:s23], $0x80  }
0x75: {  	[sflag:s23] =	ssyncset.done $0x0  }
0x76: {  	[sflag:s23] =	ssyncadd.s32 $0xFFFFFF80  }
0x77: {  	_ =	swait.ge [sflag:s24], $0x4000  }
0x78: {  	[sflag:s24] =	ssyncset.done $0x0  }
0x79: {  	[sflag:s24] =	ssyncadd.s32 $0xFFFFC000  }
0x7a: {  	[spmem:s1] =	stream.indirect.scatter.add.f32 [tilespmem:s18], [sflag:$0x5], $0x80, s17, s25, $0xb8;
	[tilespmem:$0x1C100] =	vst v63  }
0x7b: {  	_ =	swait.ge [sflag:s20], $0x4000  }
0x7c: {  	[sflag:s20] =	ssyncset.done $0x0  }
0x7d: {  	[sflag:s20] =	ssyncadd.s32 $0xFFFFC000  }
0x7e: {  	_ =	swait.ge [sflag:s26], $0x80  }
0x7f: {  	[sflag:s26] =	ssyncset.done $0x0  }
0x80: {  	[sflag:s26] =	ssyncadd.s32 $0xFFFFFF80  }
0x81: {  	_ =	swait.ge [sflag:s28], $0x4000  }
0x82: {  	[sflag:s28] =	ssyncset.done $0x0  }
0x83: {  	[sflag:s28] =	ssyncadd.s32 $0xFFFFC000  }
0x84: {  	[spmem:s1] =	stream.indirect.scatter.add.f32 [tilespmem:s22], [sflag:$0x5], $0x80, s21, s25, $0xb8;
	[tilespmem:$0x1C100] =	vst v63  }
0x85: {  	_ =	swait.ge [sflag:s20], $0x4000  }
0x86: {  	s29 =	sadd.s32 $0x1, s29;
	[sflag:s20] =	ssyncset.done $0x0  }
0x87: {  	p0 =	sne.s32 s29, s10;
	[sflag:s20] =	ssyncadd.s32 $0xFFFFC000  }
.Ltmp1:
0x88: {  	[bflag:$0x0] =	sbarrier.arrive $0xFFFF;
	(pc) =	sbr.rel @p0 .LBB2_1-.Ltmp1, $4  }
0x89: {  	[hbm:s9], [sflag:s8] =	dma.local [spmem:s19], $0x2800  }
0x8a: {  	_ =	swait.ge [sflag:s20], $0x2800  }
0x8b: {  	[sflag:s20] =	ssyncset.done $0x0  }
0x8c: {  	[sflag:s20] =	ssyncadd.s32 $0xFFFFD800  }
0x8d: {  	_ =	sfence.sel $0x180000  }
0x8e: {  	[bflag:$0x0] =	sbarrier.arrive $0xFFFF  }
0x8f: {  	_ =	strace $0x9000004A  }
0x90: {  	s0 =	stileid.u32;
	[bflag:$0x2] =	sbarrier.arrive $0xFFFF  }
0x91: {  	p0 =	sne.s32 s0, $0x0;
	s0 =	rddreg [dreg:$0x2]  }
0x92: {  	s0 =	sadd.s32 @!p0 $0x100000, s0  }
0x93: {  	[sflag:s0] =	ssyncadd.tile.s32 @!p0 $0x1;
	_ =	shalt  }
.Lfunc_end2:
_tile_overlayer_lowered:
.L_overlay_start_2:
0x94: {  	(tag) =	ssettag $0x2  }
0x95: {  	s0 =	rddreg [dreg:$0x0];
	s2 =	stileid.u32  }
0x96: {  	s1 =	rddreg [dreg:$0x1];
	p0 =	sne.s32 s2, $0x0  }
0x97: {  	s3 =	rddreg [dreg:$0x2];
	[bflag:$0x3] =	sbarrier.arrive $0xFFFF;
	s2 =	simm.s32 @!p0 $0x1C05  }
0x98: {  	[timem:s3], [sflag:s2] =	dma.local @!p0 [hbm:s0], s1  }
0x99: {  	s0 =	simm.s32 @!p0 $0x5  }
0x9a: {  	_ =	swait.ge @!p0 [sflag:s0], s1  }
0x9b: {  	s1 =	ssub.s32 @!p0 $0x0, s1;
	[sflag:s0] =	ssyncset.done @!p0 $0x0  }
0x9c: {  	[sflag:s0] =	ssyncadd.s32 @!p0 s1  }
0x9d: {  	[bflag:$0x3] =	sbarrier.arrive $0xFFFF  }
0x9e: {  	_ =	shalt  }

</sc_bundles>
